<compile_context>
chip_gen: v7x
topology: tpu7x:2x2x1
jax: 0.10.2.dev20260603
libtpu: 0.0.44.dev20260713+nightly
codegen_flags: <defaults>
</compile_context>

<pallas_src>
import functools
import math

import jax
import jax.numpy as jnp
from jax import lax
from jax.experimental import pallas as pl
from jax.experimental.pallas import tpu as pltpu
from jax.experimental.pallas import tpu_sc as plsc

M_BLK = 1024
K_BLK = 8192
K_SUB = 1024

_C = 64
_MU64 = math.sqrt(2.0) * math.exp(math.lgamma((_C + 1) / 2.0) - math.lgamma(_C / 2.0))

NUM_CORES = 2
NUM_SUBCORES = 16
NUM_WORKERS = NUM_CORES * NUM_SUBCORES
IDX_CHUNK = 128


def _match_body(z_ref, cbt_ref, idx_ref, mrg_ref):
    zb = z_ref[...]
    bv1 = bv2 = bargf = None
    for h in range(K_BLK // K_SUB):
        scores = jnp.dot(zb, cbt_ref[:, h * K_SUB:(h + 1) * K_SUB],
                         preferred_element_type=jnp.float32)
        v1 = jnp.max(scores, axis=1, keepdims=True)
        colf = (jax.lax.broadcasted_iota(jnp.int32, scores.shape, 1)
                + h * K_SUB).astype(jnp.float32)
        maskedf = jnp.where(scores == v1, colf, jnp.inf)
        argf = jnp.min(maskedf, axis=1, keepdims=True)
        v2 = jnp.max(jnp.where(colf == argf, -jnp.inf, scores), axis=1,
                     keepdims=True)
        if h == 0:
            bv1, bv2, bargf = v1, v2, argf
        else:
            upd = v1 > bv1
            bv2 = jnp.maximum(jnp.minimum(v1, bv1), jnp.maximum(v2, bv2))
            bv1 = jnp.where(upd, v1, bv1)
            bargf = jnp.where(upd, argf, bargf)
    idx_ref[...] = bargf.astype(jnp.int32)
    mrg_ref[...] = bv1 - bv2


def _match_argmax(z, cbt):
    m = z.shape[0]
    grid = (m // M_BLK,)
    return pl.pallas_call(
        _match_body,
        grid=grid,
        in_specs=[
            pl.BlockSpec((M_BLK, z.shape[1]), lambda i: (i, 0)),
            pl.BlockSpec((cbt.shape[0], K_BLK), lambda i: (0, 0)),
        ],
        out_specs=[
            pl.BlockSpec((M_BLK, 1), lambda i: (i, 0)),
            pl.BlockSpec((M_BLK, 1), lambda i: (i, 0)),
        ],
        out_shape=[
            jax.ShapeDtypeStruct((m, 1), jnp.int32),
            jax.ShapeDtypeStruct((m, 1), jnp.float32),
        ],
    )(z, cbt)


def _sc_gather(table, idx3d, n_rows, c):
    chunks = idx3d.shape[1]
    width = table.shape[1]
    mesh = plsc.VectorSubcoreMesh(core_axis_name="c", subcore_axis_name="s")

    @functools.partial(
        pl.kernel,
        out_type=jax.ShapeDtypeStruct((n_rows, width), jnp.float32),
        mesh=mesh,
        scratch_types=[
            pltpu.VMEM((chunks, IDX_CHUNK), jnp.int32),
            pltpu.VMEM((2, IDX_CHUNK, width), jnp.float32),
            pltpu.SemaphoreType.DMA,
        ],
    )
    def gather_kernel(table_hbm, idx_hbm, out_hbm, idx_v, rows_v, sem):
        wid = lax.axis_index("s") * NUM_CORES + lax.axis_index("c")
        base = wid * chunks * IDX_CHUNK
        pltpu.sync_copy(idx_hbm.at[wid], idx_v)
        copies = [None] * chunks
        for j in range(chunks):
            copies[j] = pltpu.async_copy(
                table_hbm.at[idx_v.at[j]], rows_v.at[j % 2], sem)
            if j > 0:
                copies[j - 1].wait()
                pltpu.sync_copy(
                    rows_v.at[(j - 1) % 2],
                    out_hbm.at[pl.ds(base + (j - 1) * IDX_CHUNK, IDX_CHUNK)])
        copies[chunks - 1].wait()
        pltpu.sync_copy(
            rows_v.at[(chunks - 1) % 2],
            out_hbm.at[pl.ds(base + (chunks - 1) * IDX_CHUNK, IDX_CHUNK)])

    return gather_kernel(table, idx3d)


TAU = 5e-4
FIX_ROWS = 256


def _fixup(z, codebook, idx, margin):
    rows = jnp.nonzero(margin[:, 0] < TAU, size=FIX_ROWS, fill_value=0)[0]
    z_sel = z[rows]
    z2 = jnp.sum(z_sel * z_sel, axis=-1, keepdims=True)
    e2 = jnp.sum(codebook * codebook, axis=-1)[None, :]
    d2 = jnp.maximum(z2 + e2 - 2.0 * (z_sel @ codebook.T), 0.0)
    simi = (-jnp.sqrt(d2) - _MU64) / math.sqrt(_C - _MU64 ** 2)
    zsoft = jax.nn.softmax(simi, axis=-1)
    fixed = jnp.argmax(zsoft, axis=-1).astype(idx.dtype)
    return idx.at[rows, 0].set(fixed)


def kernel(input, codebook):
    b, n, c = input.shape
    m = b * n
    z = input.reshape(m, c)
    idx2, margin = _match_argmax(z, codebook.T)
    idx2 = _fixup(z, codebook, idx2, margin)
    idx3d = idx2.reshape(NUM_WORKERS, m // (NUM_WORKERS * IDX_CHUNK), IDX_CHUNK)
    table = jnp.pad(codebook, ((0, 0), (0, 128 - c)))
    quant = _sc_gather(table, idx3d, m, c)[:, :c]
    return (idx2.reshape(b, n), quant.reshape(b, n, c))

# --- scband reference (transcript-rebuilt; emitter-appended) ---
"""Pipeline reference for scband-quanti-z-20890720928598 (READ-ONLY COPY).

The authoritative reference and input builder live on the scoring server;
editing this copy changes nothing except your own understanding.
"""

import jax, jax.numpy as jnp
import numpy as np
import math


def chi_dist_mean_std(c):
    mean = math.sqrt(2.0) * math.exp(math.lgamma((c + 1) / 2.0) - math.lgamma(c / 2.0))
    std = math.sqrt(c - mean ** 2)
    return mean, std


def setup_inputs(seed: int = 0) -> dict:
    key = jax.random.key(seed)
    k1, k2 = jax.random.split(key)
    x = jax.random.normal(k1, (64, 576, 64), dtype=jnp.float32)
    cb = jax.random.normal(k2, (8192, 64), dtype=jnp.float32)
    cb = cb / jnp.linalg.norm(cb, axis=-1, keepdims=True)  # FPS init picks normalized candidates; unit-norm codebook is a faithful stand-in
    return {"input": x, "codebook": cb}


def reference(input, codebook):
    b, n, c = input.shape
    mu, sigma = chi_dist_mean_std(c)
    # match: s = -cdist(z, e, p=2)
    z = input.reshape(-1, c)
    z2 = jnp.sum(z * z, axis=-1, keepdims=True)  # (bn, 1)
    e2 = jnp.sum(codebook * codebook, axis=-1)[None, :]  # (1, K)
    d2 = jnp.maximum(z2 + e2 - 2.0 * (z @ codebook.T), 0.0)
    s = -jnp.sqrt(d2)
    simi = s.reshape(b, n, -1)
    simi = (simi - mu) / sigma
    # eval path (std == 0): plain softmax
    zsoft = jax.nn.softmax(simi, axis=-1)
    zidx = jnp.argmax(zsoft, axis=-1)  # (b, n)
    # select: embedding gather
    quant = jnp.take(codebook, zidx, axis=0)  # (b, n, c)
    return (zidx, quant)

if __name__ == "__main__":
    import jax
    _d = setup_inputs()
    print(jax.jit(kernel)(*tuple(_d.values())))

</pallas_src>

<mosaic_0001>
#map = affine_map<(d0, d1) -> (0, 0)>
#map1 = affine_map<(d0, d1) -> (0, 0, 0)>
module attributes {stable_mosaic.version = 14 : i64} {
  func.func @gather_kernel(%arg0: i32, %arg1: i32, %arg2: memref<8192x128xf32, #tpu.memory_space<hbm>>, %arg3: memref<32x9x128xi32, #tpu.memory_space<hbm>>, %arg4: memref<36864x128xf32, #tpu.memory_space<hbm>>, %arg5: memref<9x128xi32, #tpu.memory_space<vmem>>, %arg6: memref<2x128x128xf32, #tpu.memory_space<vmem>>, %arg7: memref<!tpu.dma_semaphore, #tpu.memory_space<semaphore_mem>>) attributes {dimension_semantics = [#tpu.dimension_semantics<core_parallel>, #tpu.dimension_semantics<subcore_parallel>], iteration_bounds = array<i64: 2, 16>, scalar_prefetch = 0 : i64, scratch_operands = 3 : i64, tpu.core_type = #tpu.core_type<sc_vector_subcore>, window_params = [{transform_indices = #map}, {transform_indices = #map1}, {transform_indices = #map}]} {
    %mul3A = arith.constant 2 : i32
    %mul3A_0 = arith.muli %arg1, %mul3A : i32
    %add3A = arith.addi %mul3A_0, %arg0 : i32
    %mul3A_1 = arith.constant 9 : i32
    %mul3A_2 = arith.muli %add3A, %mul3A_1 : i32
    %mul3A_3 = arith.constant 128 : i32
    %mul3A_4 = arith.muli %mul3A_2, %mul3A_3 : i32
    "tpu.region"() ({
      %run_scoped3A_245 = tpu.sem_alloc : memref<!tpu.dma_semaphore, #tpu.memory_space<semaphore_mem>>
      %dma_start3A_246 = arith.constant 0 : i32
      %dma_start3A_247 = arith.constant 0 : i32
      %dma_start3A_248 = tpu.memref_slice %arg3[%add3A, %dma_start3A_246, %dma_start3A_247] : memref<32x9x128xi32, #tpu.memory_space<hbm>> -> memref<1x9x128xi32, #tpu.memory_space<hbm>>
      %dma_start3A_249 = tpu.memref_squeeze %dma_start3A_248 : memref<1x9x128xi32, #tpu.memory_space<hbm>> -> memref<9x128xi32, #tpu.memory_space<hbm>>
      %dma_start3A_250 = arith.constant 0 : i32
      %dma_start3A_251 = arith.constant 0 : i32
      %dma_start3A_252 = tpu.memref_slice %arg3[%add3A, %dma_start3A_250, %dma_start3A_251] : memref<32x9x128xi32, #tpu.memory_space<hbm>> -> memref<1x9x128xi32, #tpu.memory_space<hbm>>
      %dma_start3A_253 = tpu.memref_squeeze %dma_start3A_252 : memref<1x9x128xi32, #tpu.memory_space<hbm>> -> memref<9x128xi32, #tpu.memory_space<hbm>>
      tpu.enqueue_dma source(%dma_start3A_253 : memref<9x128xi32, #tpu.memory_space<hbm>>) target(%arg5 : memref<9x128xi32, #tpu.memory_space<vmem>>) target_semaphore(%run_scoped3A_245 : memref<!tpu.dma_semaphore, #tpu.memory_space<semaphore_mem>>)
      %dma_wait3A_254 = arith.constant 0 : i32
      %dma_wait3A_255 = arith.constant 0 : i32
      %dma_wait3A_256 = tpu.memref_slice %arg3[%add3A, %dma_wait3A_254, %dma_wait3A_255] : memref<32x9x128xi32, #tpu.memory_space<hbm>> -> memref<1x9x128xi32, #tpu.memory_space<hbm>>
      %dma_wait3A_257 = tpu.memref_squeeze %dma_wait3A_256 : memref<1x9x128xi32, #tpu.memory_space<hbm>> -> memref<9x128xi32, #tpu.memory_space<hbm>>
      %dma_wait3A_258 = arith.constant 0 : i32
      %dma_wait3A_259 = arith.constant 0 : i32
      %dma_wait3A_260 = tpu.memref_slice %arg3[%add3A, %dma_wait3A_258, %dma_wait3A_259] : memref<32x9x128xi32, #tpu.memory_space<hbm>> -> memref<1x9x128xi32, #tpu.memory_space<hbm>>
      %dma_wait3A_261 = tpu.memref_squeeze %dma_wait3A_260 : memref<1x9x128xi32, #tpu.memory_space<hbm>> -> memref<9x128xi32, #tpu.memory_space<hbm>>
      tpu.wait_dma2 semaphore(%run_scoped3A_245 : memref<!tpu.dma_semaphore, #tpu.memory_space<semaphore_mem>>) src(%dma_wait3A_261 : memref<9x128xi32, #tpu.memory_space<hbm>>) dst(%arg5 : memref<9x128xi32, #tpu.memory_space<vmem>>)
      tpu.yield
    }) : () -> ()
    %dma_start3A = arith.constant 0 : i32
    %dma_start3A_5 = arith.constant 0 : i32
    %dma_start3A_6 = arith.constant 0 : i32
    %dma_start3A_7 = arith.constant 0 : i32
    %dma_start3A_8 = tpu.memref_slice %arg6[%dma_start3A_5, %dma_start3A_6, %dma_start3A_7] : memref<2x128x128xf32, #tpu.memory_space<vmem>> -> memref<1x128x128xf32, #tpu.memory_space<vmem>>
    %dma_start3A_9 = tpu.memref_squeeze %dma_start3A_8 : memref<1x128x128xf32, #tpu.memory_space<vmem>> -> memref<128x128xf32, #tpu.memory_space<vmem>>
    %dma_start3A_10 = arith.constant 0 : i32
    %dma_start3A_11 = tpu.memref_slice %arg5[%dma_start3A, %dma_start3A_10] : memref<9x128xi32, #tpu.memory_space<vmem>> -> memref<1x128xi32, #tpu.memory_space<vmem>>
    %dma_start3A_12 = tpu.memref_squeeze %dma_start3A_11 : memref<1x128xi32, #tpu.memory_space<vmem>> -> memref<128xi32, #tpu.memory_space<vmem>>
    %dma_start3A_13 = arith.constant 0 : i32
    %dma_start3A_14 = arith.constant 0 : i32
    %dma_start3A_15 = tpu.memref_slice %arg2[%dma_start3A_13, %dma_start3A_14] : memref<8192x128xf32, #tpu.memory_space<hbm>> -> memref<8192x128xf32, #tpu.memory_space<hbm>>
    tpu.enqueue_indirect_dma source(%dma_start3A_15 : memref<8192x128xf32, #tpu.memory_space<hbm>>) target(%dma_start3A_9 : memref<128x128xf32, #tpu.memory_space<vmem>>) offsets(%dma_start3A_12 : memref<128xi32, #tpu.memory_space<vmem>>) semaphore(%arg7 : memref<!tpu.dma_semaphore, #tpu.memory_space<semaphore_mem>>)
    %dma_start3A_16 = arith.constant 1 : i32
    %dma_start3A_17 = arith.constant 1 : i32
    %dma_start3A_18 = arith.constant 0 : i32
    %dma_start3A_19 = arith.constant 0 : i32
    %dma_start3A_20 = tpu.memref_slice %arg6[%dma_start3A_17, %dma_start3A_18, %dma_start3A_19] : memref<2x128x128xf32, #tpu.memory_space<vmem>> -> memref<1x128x128xf32, #tpu.memory_space<vmem>>
    %dma_start3A_21 = tpu.memref_squeeze %dma_start3A_20 : memref<1x128x128xf32, #tpu.memory_space<vmem>> -> memref<128x128xf32, #tpu.memory_space<vmem>>
    %dma_start3A_22 = arith.constant 0 : i32
    %dma_start3A_23 = tpu.memref_slice %arg5[%dma_start3A_16, %dma_start3A_22] : memref<9x128xi32, #tpu.memory_space<vmem>> -> memref<1x128xi32, #tpu.memory_space<vmem>>
    %dma_start3A_24 = tpu.memref_squeeze %dma_start3A_23 : memref<1x128xi32, #tpu.memory_space<vmem>> -> memref<128xi32, #tpu.memory_space<vmem>>
    %dma_start3A_25 = arith.constant 0 : i32
    %dma_start3A_26 = arith.constant 0 : i32
    %dma_start3A_27 = tpu.memref_slice %arg2[%dma_start3A_25, %dma_start3A_26] : memref<8192x128xf32, #tpu.memory_space<hbm>> -> memref<8192x128xf32, #tpu.memory_space<hbm>>
    tpu.enqueue_indirect_dma source(%dma_start3A_27 : memref<8192x128xf32, #tpu.memory_space<hbm>>) target(%dma_start3A_21 : memref<128x128xf32, #tpu.memory_space<vmem>>) offsets(%dma_start3A_24 : memref<128xi32, #tpu.memory_space<vmem>>) semaphore(%arg7 : memref<!tpu.dma_semaphore, #tpu.memory_space<semaphore_mem>>)
    %dma_wait3A = arith.constant 0 : i32
    %dma_wait3A_28 = arith.constant 0 : i32
    %dma_wait3A_29 = arith.constant 0 : i32
    %dma_wait3A_30 = arith.constant 0 : i32
    %dma_wait3A_31 = tpu.memref_slice %arg6[%dma_wait3A_28, %dma_wait3A_29, %dma_wait3A_30] : memref<2x128x128xf32, #tpu.memory_space<vmem>> -> memref<1x128x128xf32, #tpu.memory_space<vmem>>
    %dma_wait3A_32 = tpu.memref_squeeze %dma_wait3A_31 : memref<1x128x128xf32, #tpu.memory_space<vmem>> -> memref<128x128xf32, #tpu.memory_space<vmem>>
    %dma_wait3A_33 = arith.constant 0 : i32
    %dma_wait3A_34 = tpu.memref_slice %arg5[%dma_wait3A, %dma_wait3A_33] : memref<9x128xi32, #tpu.memory_space<vmem>> -> memref<1x128xi32, #tpu.memory_space<vmem>>
    %dma_wait3A_35 = tpu.memref_squeeze %dma_wait3A_34 : memref<1x128xi32, #tpu.memory_space<vmem>> -> memref<128xi32, #tpu.memory_space<vmem>>
    %dma_wait3A_36 = arith.constant 0 : i32
    %dma_wait3A_37 = arith.constant 0 : i32
    %dma_wait3A_38 = tpu.memref_slice %arg2[%dma_wait3A_36, %dma_wait3A_37] : memref<8192x128xf32, #tpu.memory_space<hbm>> -> memref<8192x128xf32, #tpu.memory_space<hbm>>
    tpu.wait_indirect_dma semaphore(%arg7 : memref<!tpu.dma_semaphore, #tpu.memory_space<semaphore_mem>>) src(%dma_wait3A_38 : memref<8192x128xf32, #tpu.memory_space<hbm>>) dst(%dma_wait3A_32 : memref<128x128xf32, #tpu.memory_space<vmem>>)
    %add3A_39 = arith.constant 0 : i32
    %add3A_40 = arith.addi %mul3A_4, %add3A_39 : i32
    %run_scoped3A = arith.constant 0 : i32
    "tpu.region"() ({
      %run_scoped3A_245 = tpu.sem_alloc : memref<!tpu.dma_semaphore, #tpu.memory_space<semaphore_mem>>
      %dma_start3A_246 = arith.constant 0 : i32
      %dma_start3A_247 = arith.constant 0 : i32
      %dma_start3A_248 = tpu.memref_slice %arg6[%run_scoped3A, %dma_start3A_246, %dma_start3A_247] : memref<2x128x128xf32, #tpu.memory_space<vmem>> -> memref<1x128x128xf32, #tpu.memory_space<vmem>>
      %dma_start3A_249 = tpu.memref_squeeze %dma_start3A_248 : memref<1x128x128xf32, #tpu.memory_space<vmem>> -> memref<128x128xf32, #tpu.memory_space<vmem>>
      %dma_start3A_250 = arith.constant 0 : i32
      %dma_start3A_251 = tpu.memref_slice %arg4[%add3A_40, %dma_start3A_250] : memref<36864x128xf32, #tpu.memory_space<hbm>> -> memref<128x128xf32, #tpu.memory_space<hbm>>
      %dma_start3A_252 = arith.constant 0 : i32
      %dma_start3A_253 = tpu.memref_slice %arg4[%add3A_40, %dma_start3A_252] : memref<36864x128xf32, #tpu.memory_space<hbm>> -> memref<128x128xf32, #tpu.memory_space<hbm>>
      %dma_start3A_254 = arith.constant 0 : i32
      %dma_start3A_255 = arith.constant 0 : i32
      %dma_start3A_256 = tpu.memref_slice %arg6[%run_scoped3A, %dma_start3A_254, %dma_start3A_255] : memref<2x128x128xf32, #tpu.memory_space<vmem>> -> memref<1x128x128xf32, #tpu.memory_space<vmem>>
      %dma_start3A_257 = tpu.memref_squeeze %dma_start3A_256 : memref<1x128x128xf32, #tpu.memory_space<vmem>> -> memref<128x128xf32, #tpu.memory_space<vmem>>
      tpu.enqueue_dma source(%dma_start3A_257 : memref<128x128xf32, #tpu.memory_space<vmem>>) target(%dma_start3A_253 : memref<128x128xf32, #tpu.memory_space<hbm>>) target_semaphore(%run_scoped3A_245 : memref<!tpu.dma_semaphore, #tpu.memory_space<semaphore_mem>>)
      %dma_wait3A_258 = arith.constant 0 : i32
      %dma_wait3A_259 = arith.constant 0 : i32
      %dma_wait3A_260 = tpu.memref_slice %arg6[%run_scoped3A, %dma_wait3A_258, %dma_wait3A_259] : memref<2x128x128xf32, #tpu.memory_space<vmem>> -> memref<1x128x128xf32, #tpu.memory_space<vmem>>
      %dma_wait3A_261 = tpu.memref_squeeze %dma_wait3A_260 : memref<1x128x128xf32, #tpu.memory_space<vmem>> -> memref<128x128xf32, #tpu.memory_space<vmem>>
      %dma_wait3A_262 = arith.constant 0 : i32
      %dma_wait3A_263 = tpu.memref_slice %arg4[%add3A_40, %dma_wait3A_262] : memref<36864x128xf32, #tpu.memory_space<hbm>> -> memref<128x128xf32, #tpu.memory_space<hbm>>
      %dma_wait3A_264 = arith.constant 0 : i32
      %dma_wait3A_265 = tpu.memref_slice %arg4[%add3A_40, %dma_wait3A_264] : memref<36864x128xf32, #tpu.memory_space<hbm>> -> memref<128x128xf32, #tpu.memory_space<hbm>>
      %dma_wait3A_266 = arith.constant 0 : i32
      %dma_wait3A_267 = arith.constant 0 : i32
      %dma_wait3A_268 = tpu.memref_slice %arg6[%run_scoped3A, %dma_wait3A_266, %dma_wait3A_267] : memref<2x128x128xf32, #tpu.memory_space<vmem>> -> memref<1x128x128xf32, #tpu.memory_space<vmem>>
      %dma_wait3A_269 = tpu.memref_squeeze %dma_wait3A_268 : memref<1x128x128xf32, #tpu.memory_space<vmem>> -> memref<128x128xf32, #tpu.memory_space<vmem>>
      tpu.wait_dma2 semaphore(%run_scoped3A_245 : memref<!tpu.dma_semaphore, #tpu.memory_space<semaphore_mem>>) src(%dma_wait3A_269 : memref<128x128xf32, #tpu.memory_space<vmem>>) dst(%dma_wait3A_265 : memref<128x128xf32, #tpu.memory_space<hbm>>)
      tpu.yield
    }) : () -> ()
    %dma_start3A_41 = arith.constant 2 : i32
    %dma_start3A_42 = arith.constant 0 : i32
    %dma_start3A_43 = arith.constant 0 : i32
    %dma_start3A_44 = arith.constant 0 : i32
    %dma_start3A_45 = tpu.memref_slice %arg6[%dma_start3A_42, %dma_start3A_43, %dma_start3A_44] : memref<2x128x128xf32, #tpu.memory_space<vmem>> -> memref<1x128x128xf32, #tpu.memory_space<vmem>>
    %dma_start3A_46 = tpu.memref_squeeze %dma_start3A_45 : memref<1x128x128xf32, #tpu.memory_space<vmem>> -> memref<128x128xf32, #tpu.memory_space<vmem>>
    %dma_start3A_47 = arith.constant 0 : i32
    %dma_start3A_48 = tpu.memref_slice %arg5[%dma_start3A_41, %dma_start3A_47] : memref<9x128xi32, #tpu.memory_space<vmem>> -> memref<1x128xi32, #tpu.memory_space<vmem>>
    %dma_start3A_49 = tpu.memref_squeeze %dma_start3A_48 : memref<1x128xi32, #tpu.memory_space<vmem>> -> memref<128xi32, #tpu.memory_space<vmem>>
    %dma_start3A_50 = arith.constant 0 : i32
    %dma_start3A_51 = arith.constant 0 : i32
    %dma_start3A_52 = tpu.memref_slice %arg2[%dma_start3A_50, %dma_start3A_51] : memref<8192x128xf32, #tpu.memory_space<hbm>> -> memref<8192x128xf32, #tpu.memory_space<hbm>>
    tpu.enqueue_indirect_dma source(%dma_start3A_52 : memref<8192x128xf32, #tpu.memory_space<hbm>>) target(%dma_start3A_46 : memref<128x128xf32, #tpu.memory_space<vmem>>) offsets(%dma_start3A_49 : memref<128xi32, #tpu.memory_space<vmem>>) semaphore(%arg7 : memref<!tpu.dma_semaphore, #tpu.memory_space<semaphore_mem>>)
    %dma_wait3A_53 = arith.constant 1 : i32
    %dma_wait3A_54 = arith.constant 1 : i32
    %dma_wait3A_55 = arith.constant 0 : i32
    %dma_wait3A_56 = arith.constant 0 : i32
    %dma_wait3A_57 = tpu.memref_slice %arg6[%dma_wait3A_54, %dma_wait3A_55, %dma_wait3A_56] : memref<2x128x128xf32, #tpu.memory_space<vmem>> -> memref<1x128x128xf32, #tpu.memory_space<vmem>>
    %dma_wait3A_58 = tpu.memref_squeeze %dma_wait3A_57 : memref<1x128x128xf32, #tpu.memory_space<vmem>> -> memref<128x128xf32, #tpu.memory_space<vmem>>
    %dma_wait3A_59 = arith.constant 0 : i32
    %dma_wait3A_60 = tpu.memref_slice %arg5[%dma_wait3A_53, %dma_wait3A_59] : memref<9x128xi32, #tpu.memory_space<vmem>> -> memref<1x128xi32, #tpu.memory_space<vmem>>
    %dma_wait3A_61 = tpu.memref_squeeze %dma_wait3A_60 : memref<1x128xi32, #tpu.memory_space<vmem>> -> memref<128xi32, #tpu.memory_space<vmem>>
    %dma_wait3A_62 = arith.constant 0 : i32
    %dma_wait3A_63 = arith.constant 0 : i32
    %dma_wait3A_64 = tpu.memref_slice %arg2[%dma_wait3A_62, %dma_wait3A_63] : memref<8192x128xf32, #tpu.memory_space<hbm>> -> memref<8192x128xf32, #tpu.memory_space<hbm>>
    tpu.wait_indirect_dma semaphore(%arg7 : memref<!tpu.dma_semaphore, #tpu.memory_space<semaphore_mem>>) src(%dma_wait3A_64 : memref<8192x128xf32, #tpu.memory_space<hbm>>) dst(%dma_wait3A_58 : memref<128x128xf32, #tpu.memory_space<vmem>>)
    %add3A_65 = arith.constant 128 : i32
    %add3A_66 = arith.addi %mul3A_4, %add3A_65 : i32
    %run_scoped3A_67 = arith.constant 1 : i32
    "tpu.region"() ({
      %run_scoped3A_245 = tpu.sem_alloc : memref<!tpu.dma_semaphore, #tpu.memory_space<semaphore_mem>>
      %dma_start3A_246 = arith.constant 0 : i32
      %dma_start3A_247 = arith.constant 0 : i32
      %dma_start3A_248 = tpu.memref_slice %arg6[%run_scoped3A_67, %dma_start3A_246, %dma_start3A_247] : memref<2x128x128xf32, #tpu.memory_space<vmem>> -> memref<1x128x128xf32, #tpu.memory_space<vmem>>
      %dma_start3A_249 = tpu.memref_squeeze %dma_start3A_248 : memref<1x128x128xf32, #tpu.memory_space<vmem>> -> memref<128x128xf32, #tpu.memory_space<vmem>>
      %dma_start3A_250 = arith.constant 0 : i32
      %dma_start3A_251 = tpu.memref_slice %arg4[%add3A_66, %dma_start3A_250] : memref<36864x128xf32, #tpu.memory_space<hbm>> -> memref<128x128xf32, #tpu.memory_space<hbm>>
      %dma_start3A_252 = arith.constant 0 : i32
      %dma_start3A_253 = tpu.memref_slice %arg4[%add3A_66, %dma_start3A_252] : memref<36864x128xf32, #tpu.memory_space<hbm>> -> memref<128x128xf32, #tpu.memory_space<hbm>>
      %dma_start3A_254 = arith.constant 0 : i32
      %dma_start3A_255 = arith.constant 0 : i32
      %dma_start3A_256 = tpu.memref_slice %arg6[%run_scoped3A_67, %dma_start3A_254, %dma_start3A_255] : memref<2x128x128xf32, #tpu.memory_space<vmem>> -> memref<1x128x128xf32, #tpu.memory_space<vmem>>
      %dma_start3A_257 = tpu.memref_squeeze %dma_start3A_256 : memref<1x128x128xf32, #tpu.memory_space<vmem>> -> memref<128x128xf32, #tpu.memory_space<vmem>>
      tpu.enqueue_dma source(%dma_start3A_257 : memref<128x128xf32, #tpu.memory_space<vmem>>) target(%dma_start3A_253 : memref<128x128xf32, #tpu.memory_space<hbm>>) target_semaphore(%run_scoped3A_245 : memref<!tpu.dma_semaphore, #tpu.memory_space<semaphore_mem>>)
      %dma_wait3A_258 = arith.constant 0 : i32
      %dma_wait3A_259 = arith.constant 0 : i32
      %dma_wait3A_260 = tpu.memref_slice %arg6[%run_scoped3A_67, %dma_wait3A_258, %dma_wait3A_259] : memref<2x128x128xf32, #tpu.memory_space<vmem>> -> memref<1x128x128xf32, #tpu.memory_space<vmem>>
      %dma_wait3A_261 = tpu.memref_squeeze %dma_wait3A_260 : memref<1x128x128xf32, #tpu.memory_space<vmem>> -> memref<128x128xf32, #tpu.memory_space<vmem>>
      %dma_wait3A_262 = arith.constant 0 : i32
      %dma_wait3A_263 = tpu.memref_slice %arg4[%add3A_66, %dma_wait3A_262] : memref<36864x128xf32, #tpu.memory_space<hbm>> -> memref<128x128xf32, #tpu.memory_space<hbm>>
      %dma_wait3A_264 = arith.constant 0 : i32
      %dma_wait3A_265 = tpu.memref_slice %arg4[%add3A_66, %dma_wait3A_264] : memref<36864x128xf32, #tpu.memory_space<hbm>> -> memref<128x128xf32, #tpu.memory_space<hbm>>
      %dma_wait3A_266 = arith.constant 0 : i32
      %dma_wait3A_267 = arith.constant 0 : i32
      %dma_wait3A_268 = tpu.memref_slice %arg6[%run_scoped3A_67, %dma_wait3A_266, %dma_wait3A_267] : memref<2x128x128xf32, #tpu.memory_space<vmem>> -> memref<1x128x128xf32, #tpu.memory_space<vmem>>
      %dma_wait3A_269 = tpu.memref_squeeze %dma_wait3A_268 : memref<1x128x128xf32, #tpu.memory_space<vmem>> -> memref<128x128xf32, #tpu.memory_space<vmem>>
      tpu.wait_dma2 semaphore(%run_scoped3A_245 : memref<!tpu.dma_semaphore, #tpu.memory_space<semaphore_mem>>) src(%dma_wait3A_269 : memref<128x128xf32, #tpu.memory_space<vmem>>) dst(%dma_wait3A_265 : memref<128x128xf32, #tpu.memory_space<hbm>>)
      tpu.yield
    }) : () -> ()
    %dma_start3A_68 = arith.constant 3 : i32
    %dma_start3A_69 = arith.constant 1 : i32
    %dma_start3A_70 = arith.constant 0 : i32
    %dma_start3A_71 = arith.constant 0 : i32
    %dma_start3A_72 = tpu.memref_slice %arg6[%dma_start3A_69, %dma_start3A_70, %dma_start3A_71] : memref<2x128x128xf32, #tpu.memory_space<vmem>> -> memref<1x128x128xf32, #tpu.memory_space<vmem>>
    %dma_start3A_73 = tpu.memref_squeeze %dma_start3A_72 : memref<1x128x128xf32, #tpu.memory_space<vmem>> -> memref<128x128xf32, #tpu.memory_space<vmem>>
    %dma_start3A_74 = arith.constant 0 : i32
    %dma_start3A_75 = tpu.memref_slice %arg5[%dma_start3A_68, %dma_start3A_74] : memref<9x128xi32, #tpu.memory_space<vmem>> -> memref<1x128xi32, #tpu.memory_space<vmem>>
    %dma_start3A_76 = tpu.memref_squeeze %dma_start3A_75 : memref<1x128xi32, #tpu.memory_space<vmem>> -> memref<128xi32, #tpu.memory_space<vmem>>
    %dma_start3A_77 = arith.constant 0 : i32
    %dma_start3A_78 = arith.constant 0 : i32
    %dma_start3A_79 = tpu.memref_slice %arg2[%dma_start3A_77, %dma_start3A_78] : memref<8192x128xf32, #tpu.memory_space<hbm>> -> memref<8192x128xf32, #tpu.memory_space<hbm>>
    tpu.enqueue_indirect_dma source(%dma_start3A_79 : memref<8192x128xf32, #tpu.memory_space<hbm>>) target(%dma_start3A_73 : memref<128x128xf32, #tpu.memory_space<vmem>>) offsets(%dma_start3A_76 : memref<128xi32, #tpu.memory_space<vmem>>) semaphore(%arg7 : memref<!tpu.dma_semaphore, #tpu.memory_space<semaphore_mem>>)
    %dma_wait3A_80 = arith.constant 2 : i32
    %dma_wait3A_81 = arith.constant 0 : i32
    %dma_wait3A_82 = arith.constant 0 : i32
    %dma_wait3A_83 = arith.constant 0 : i32
    %dma_wait3A_84 = tpu.memref_slice %arg6[%dma_wait3A_81, %dma_wait3A_82, %dma_wait3A_83] : memref<2x128x128xf32, #tpu.memory_space<vmem>> -> memref<1x128x128xf32, #tpu.memory_space<vmem>>
    %dma_wait3A_85 = tpu.memref_squeeze %dma_wait3A_84 : memref<1x128x128xf32, #tpu.memory_space<vmem>> -> memref<128x128xf32, #tpu.memory_space<vmem>>
    %dma_wait3A_86 = arith.constant 0 : i32
    %dma_wait3A_87 = tpu.memref_slice %arg5[%dma_wait3A_80, %dma_wait3A_86] : memref<9x128xi32, #tpu.memory_space<vmem>> -> memref<1x128xi32, #tpu.memory_space<vmem>>
    %dma_wait3A_88 = tpu.memref_squeeze %dma_wait3A_87 : memref<1x128xi32, #tpu.memory_space<vmem>> -> memref<128xi32, #tpu.memory_space<vmem>>
    %dma_wait3A_89 = arith.constant 0 : i32
    %dma_wait3A_90 = arith.constant 0 : i32
    %dma_wait3A_91 = tpu.memref_slice %arg2[%dma_wait3A_89, %dma_wait3A_90] : memref<8192x128xf32, #tpu.memory_space<hbm>> -> memref<8192x128xf32, #tpu.memory_space<hbm>>
    tpu.wait_indirect_dma semaphore(%arg7 : memref<!tpu.dma_semaphore, #tpu.memory_space<semaphore_mem>>) src(%dma_wait3A_91 : memref<8192x128xf32, #tpu.memory_space<hbm>>) dst(%dma_wait3A_85 : memref<128x128xf32, #tpu.memory_space<vmem>>)
    %add3A_92 = arith.constant 256 : i32
    %add3A_93 = arith.addi %mul3A_4, %add3A_92 : i32
    %run_scoped3A_94 = arith.constant 0 : i32
    "tpu.region"() ({
      %run_scoped3A_245 = tpu.sem_alloc : memref<!tpu.dma_semaphore, #tpu.memory_space<semaphore_mem>>
      %dma_start3A_246 = arith.constant 0 : i32
      %dma_start3A_247 = arith.constant 0 : i32
      %dma_start3A_248 = tpu.memref_slice %arg6[%run_scoped3A_94, %dma_start3A_246, %dma_start3A_247] : memref<2x128x128xf32, #tpu.memory_space<vmem>> -> memref<1x128x128xf32, #tpu.memory_space<vmem>>
      %dma_start3A_249 = tpu.memref_squeeze %dma_start3A_248 : memref<1x128x128xf32, #tpu.memory_space<vmem>> -> memref<128x128xf32, #tpu.memory_space<vmem>>
      %dma_start3A_250 = arith.constant 0 : i32
      %dma_start3A_251 = tpu.memref_slice %arg4[%add3A_93, %dma_start3A_250] : memref<36864x128xf32, #tpu.memory_space<hbm>> -> memref<128x128xf32, #tpu.memory_space<hbm>>
      %dma_start3A_252 = arith.constant 0 : i32
      %dma_start3A_253 = tpu.memref_slice %arg4[%add3A_93, %dma_start3A_252] : memref<36864x128xf32, #tpu.memory_space<hbm>> -> memref<128x128xf32, #tpu.memory_space<hbm>>
      %dma_start3A_254 = arith.constant 0 : i32
      %dma_start3A_255 = arith.constant 0 : i32
      %dma_start3A_256 = tpu.memref_slice %arg6[%run_scoped3A_94, %dma_start3A_254, %dma_start3A_255] : memref<2x128x128xf32, #tpu.memory_space<vmem>> -> memref<1x128x128xf32, #tpu.memory_space<vmem>>
      %dma_start3A_257 = tpu.memref_squeeze %dma_start3A_256 : memref<1x128x128xf32, #tpu.memory_space<vmem>> -> memref<128x128xf32, #tpu.memory_space<vmem>>
      tpu.enqueue_dma source(%dma_start3A_257 : memref<128x128xf32, #tpu.memory_space<vmem>>) target(%dma_start3A_253 : memref<128x128xf32, #tpu.memory_space<hbm>>) target_semaphore(%run_scoped3A_245 : memref<!tpu.dma_semaphore, #tpu.memory_space<semaphore_mem>>)
      %dma_wait3A_258 = arith.constant 0 : i32
      %dma_wait3A_259 = arith.constant 0 : i32
      %dma_wait3A_260 = tpu.memref_slice %arg6[%run_scoped3A_94, %dma_wait3A_258, %dma_wait3A_259] : memref<2x128x128xf32, #tpu.memory_space<vmem>> -> memref<1x128x128xf32, #tpu.memory_space<vmem>>
      %dma_wait3A_261 = tpu.memref_squeeze %dma_wait3A_260 : memref<1x128x128xf32, #tpu.memory_space<vmem>> -> memref<128x128xf32, #tpu.memory_space<vmem>>
      %dma_wait3A_262 = arith.constant 0 : i32
      %dma_wait3A_263 = tpu.memref_slice %arg4[%add3A_93, %dma_wait3A_262] : memref<36864x128xf32, #tpu.memory_space<hbm>> -> memref<128x128xf32, #tpu.memory_space<hbm>>
      %dma_wait3A_264 = arith.constant 0 : i32
      %dma_wait3A_265 = tpu.memref_slice %arg4[%add3A_93, %dma_wait3A_264] : memref<36864x128xf32, #tpu.memory_space<hbm>> -> memref<128x128xf32, #tpu.memory_space<hbm>>
      %dma_wait3A_266 = arith.constant 0 : i32
      %dma_wait3A_267 = arith.constant 0 : i32
      %dma_wait3A_268 = tpu.memref_slice %arg6[%run_scoped3A_94, %dma_wait3A_266, %dma_wait3A_267] : memref<2x128x128xf32, #tpu.memory_space<vmem>> -> memref<1x128x128xf32, #tpu.memory_space<vmem>>
      %dma_wait3A_269 = tpu.memref_squeeze %dma_wait3A_268 : memref<1x128x128xf32, #tpu.memory_space<vmem>> -> memref<128x128xf32, #tpu.memory_space<vmem>>
      tpu.wait_dma2 semaphore(%run_scoped3A_245 : memref<!tpu.dma_semaphore, #tpu.memory_space<semaphore_mem>>) src(%dma_wait3A_269 : memref<128x128xf32, #tpu.memory_space<vmem>>) dst(%dma_wait3A_265 : memref<128x128xf32, #tpu.memory_space<hbm>>)
      tpu.yield
    }) : () -> ()
    %dma_start3A_95 = arith.constant 4 : i32
    %dma_start3A_96 = arith.constant 0 : i32
    %dma_start3A_97 = arith.constant 0 : i32
    %dma_start3A_98 = arith.constant 0 : i32
    %dma_start3A_99 = tpu.memref_slice %arg6[%dma_start3A_96, %dma_start3A_97, %dma_start3A_98] : memref<2x128x128xf32, #tpu.memory_space<vmem>> -> memref<1x128x128xf32, #tpu.memory_space<vmem>>
    %dma_start3A_100 = tpu.memref_squeeze %dma_start3A_99 : memref<1x128x128xf32, #tpu.memory_space<vmem>> -> memref<128x128xf32, #tpu.memory_space<vmem>>
    %dma_start3A_101 = arith.constant 0 : i32
    %dma_start3A_102 = tpu.memref_slice %arg5[%dma_start3A_95, %dma_start3A_101] : memref<9x128xi32, #tpu.memory_space<vmem>> -> memref<1x128xi32, #tpu.memory_space<vmem>>
    %dma_start3A_103 = tpu.memref_squeeze %dma_start3A_102 : memref<1x128xi32, #tpu.memory_space<vmem>> -> memref<128xi32, #tpu.memory_space<vmem>>
    %dma_start3A_104 = arith.constant 0 : i32
    %dma_start3A_105 = arith.constant 0 : i32
    %dma_start3A_106 = tpu.memref_slice %arg2[%dma_start3A_104, %dma_start3A_105] : memref<8192x128xf32, #tpu.memory_space<hbm>> -> memref<8192x128xf32, #tpu.memory_space<hbm>>
    tpu.enqueue_indirect_dma source(%dma_start3A_106 : memref<8192x128xf32, #tpu.memory_space<hbm>>) target(%dma_start3A_100 : memref<128x128xf32, #tpu.memory_space<vmem>>) offsets(%dma_start3A_103 : memref<128xi32, #tpu.memory_space<vmem>>) semaphore(%arg7 : memref<!tpu.dma_semaphore, #tpu.memory_space<semaphore_mem>>)
    %dma_wait3A_107 = arith.constant 3 : i32
    %dma_wait3A_108 = arith.constant 1 : i32
    %dma_wait3A_109 = arith.constant 0 : i32
    %dma_wait3A_110 = arith.constant 0 : i32
    %dma_wait3A_111 = tpu.memref_slice %arg6[%dma_wait3A_108, %dma_wait3A_109, %dma_wait3A_110] : memref<2x128x128xf32, #tpu.memory_space<vmem>> -> memref<1x128x128xf32, #tpu.memory_space<vmem>>
    %dma_wait3A_112 = tpu.memref_squeeze %dma_wait3A_111 : memref<1x128x128xf32, #tpu.memory_space<vmem>> -> memref<128x128xf32, #tpu.memory_space<vmem>>
    %dma_wait3A_113 = arith.constant 0 : i32
    %dma_wait3A_114 = tpu.memref_slice %arg5[%dma_wait3A_107, %dma_wait3A_113] : memref<9x128xi32, #tpu.memory_space<vmem>> -> memref<1x128xi32, #tpu.memory_space<vmem>>
    %dma_wait3A_115 = tpu.memref_squeeze %dma_wait3A_114 : memref<1x128xi32, #tpu.memory_space<vmem>> -> memref<128xi32, #tpu.memory_space<vmem>>
    %dma_wait3A_116 = arith.constant 0 : i32
    %dma_wait3A_117 = arith.constant 0 : i32
    %dma_wait3A_118 = tpu.memref_slice %arg2[%dma_wait3A_116, %dma_wait3A_117] : memref<8192x128xf32, #tpu.memory_space<hbm>> -> memref<8192x128xf32, #tpu.memory_space<hbm>>
    tpu.wait_indirect_dma semaphore(%arg7 : memref<!tpu.dma_semaphore, #tpu.memory_space<semaphore_mem>>) src(%dma_wait3A_118 : memref<8192x128xf32, #tpu.memory_space<hbm>>) dst(%dma_wait3A_112 : memref<128x128xf32, #tpu.memory_space<vmem>>)
    %add3A_119 = arith.constant 384 : i32
    %add3A_120 = arith.addi %mul3A_4, %add3A_119 : i32
    %run_scoped3A_121 = arith.constant 1 : i32
    "tpu.region"() ({
      %run_scoped3A_245 = tpu.sem_alloc : memref<!tpu.dma_semaphore, #tpu.memory_space<semaphore_mem>>
      %dma_start3A_246 = arith.constant 0 : i32
      %dma_start3A_247 = arith.constant 0 : i32
      %dma_start3A_248 = tpu.memref_slice %arg6[%run_scoped3A_121, %dma_start3A_246, %dma_start3A_247] : memref<2x128x128xf32, #tpu.memory_space<vmem>> -> memref<1x128x128xf32, #tpu.memory_space<vmem>>
      %dma_start3A_249 = tpu.memref_squeeze %dma_start3A_248 : memref<1x128x128xf32, #tpu.memory_space<vmem>> -> memref<128x128xf32, #tpu.memory_space<vmem>>
      %dma_start3A_250 = arith.constant 0 : i32
      %dma_start3A_251 = tpu.memref_slice %arg4[%add3A_120, %dma_start3A_250] : memref<36864x128xf32, #tpu.memory_space<hbm>> -> memref<128x128xf32, #tpu.memory_space<hbm>>
      %dma_start3A_252 = arith.constant 0 : i32
      %dma_start3A_253 = tpu.memref_slice %arg4[%add3A_120, %dma_start3A_252] : memref<36864x128xf32, #tpu.memory_space<hbm>> -> memref<128x128xf32, #tpu.memory_space<hbm>>
      %dma_start3A_254 = arith.constant 0 : i32
      %dma_start3A_255 = arith.constant 0 : i32
      %dma_start3A_256 = tpu.memref_slice %arg6[%run_scoped3A_121, %dma_start3A_254, %dma_start3A_255] : memref<2x128x128xf32, #tpu.memory_space<vmem>> -> memref<1x128x128xf32, #tpu.memory_space<vmem>>
      %dma_start3A_257 = tpu.memref_squeeze %dma_start3A_256 : memref<1x128x128xf32, #tpu.memory_space<vmem>> -> memref<128x128xf32, #tpu.memory_space<vmem>>
      tpu.enqueue_dma source(%dma_start3A_257 : memref<128x128xf32, #tpu.memory_space<vmem>>) target(%dma_start3A_253 : memref<128x128xf32, #tpu.memory_space<hbm>>) target_semaphore(%run_scoped3A_245 : memref<!tpu.dma_semaphore, #tpu.memory_space<semaphore_mem>>)
      %dma_wait3A_258 = arith.constant 0 : i32
      %dma_wait3A_259 = arith.constant 0 : i32
      %dma_wait3A_260 = tpu.memref_slice %arg6[%run_scoped3A_121, %dma_wait3A_258, %dma_wait3A_259] : memref<2x128x128xf32, #tpu.memory_space<vmem>> -> memref<1x128x128xf32, #tpu.memory_space<vmem>>
      %dma_wait3A_261 = tpu.memref_squeeze %dma_wait3A_260 : memref<1x128x128xf32, #tpu.memory_space<vmem>> -> memref<128x128xf32, #tpu.memory_space<vmem>>
      %dma_wait3A_262 = arith.constant 0 : i32
      %dma_wait3A_263 = tpu.memref_slice %arg4[%add3A_120, %dma_wait3A_262] : memref<36864x128xf32, #tpu.memory_space<hbm>> -> memref<128x128xf32, #tpu.memory_space<hbm>>
      %dma_wait3A_264 = arith.constant 0 : i32
      %dma_wait3A_265 = tpu.memref_slice %arg4[%add3A_120, %dma_wait3A_264] : memref<36864x128xf32, #tpu.memory_space<hbm>> -> memref<128x128xf32, #tpu.memory_space<hbm>>
      %dma_wait3A_266 = arith.constant 0 : i32
      %dma_wait3A_267 = arith.constant 0 : i32
      %dma_wait3A_268 = tpu.memref_slice %arg6[%run_scoped3A_121, %dma_wait3A_266, %dma_wait3A_267] : memref<2x128x128xf32, #tpu.memory_space<vmem>> -> memref<1x128x128xf32, #tpu.memory_space<vmem>>
      %dma_wait3A_269 = tpu.memref_squeeze %dma_wait3A_268 : memref<1x128x128xf32, #tpu.memory_space<vmem>> -> memref<128x128xf32, #tpu.memory_space<vmem>>
      tpu.wait_dma2 semaphore(%run_scoped3A_245 : memref<!tpu.dma_semaphore, #tpu.memory_space<semaphore_mem>>) src(%dma_wait3A_269 : memref<128x128xf32, #tpu.memory_space<vmem>>) dst(%dma_wait3A_265 : memref<128x128xf32, #tpu.memory_space<hbm>>)
      tpu.yield
    }) : () -> ()
    %dma_start3A_122 = arith.constant 5 : i32
    %dma_start3A_123 = arith.constant 1 : i32
    %dma_start3A_124 = arith.constant 0 : i32
    %dma_start3A_125 = arith.constant 0 : i32
    %dma_start3A_126 = tpu.memref_slice %arg6[%dma_start3A_123, %dma_start3A_124, %dma_start3A_125] : memref<2x128x128xf32, #tpu.memory_space<vmem>> -> memref<1x128x128xf32, #tpu.memory_space<vmem>>
    %dma_start3A_127 = tpu.memref_squeeze %dma_start3A_126 : memref<1x128x128xf32, #tpu.memory_space<vmem>> -> memref<128x128xf32, #tpu.memory_space<vmem>>
    %dma_start3A_128 = arith.constant 0 : i32
    %dma_start3A_129 = tpu.memref_slice %arg5[%dma_start3A_122, %dma_start3A_128] : memref<9x128xi32, #tpu.memory_space<vmem>> -> memref<1x128xi32, #tpu.memory_space<vmem>>
    %dma_start3A_130 = tpu.memref_squeeze %dma_start3A_129 : memref<1x128xi32, #tpu.memory_space<vmem>> -> memref<128xi32, #tpu.memory_space<vmem>>
    %dma_start3A_131 = arith.constant 0 : i32
    %dma_start3A_132 = arith.constant 0 : i32
    %dma_start3A_133 = tpu.memref_slice %arg2[%dma_start3A_131, %dma_start3A_132] : memref<8192x128xf32, #tpu.memory_space<hbm>> -> memref<8192x128xf32, #tpu.memory_space<hbm>>
    tpu.enqueue_indirect_dma source(%dma_start3A_133 : memref<8192x128xf32, #tpu.memory_space<hbm>>) target(%dma_start3A_127 : memref<128x128xf32, #tpu.memory_space<vmem>>) offsets(%dma_start3A_130 : memref<128xi32, #tpu.memory_space<vmem>>) semaphore(%arg7 : memref<!tpu.dma_semaphore, #tpu.memory_space<semaphore_mem>>)
    %dma_wait3A_134 = arith.constant 4 : i32
    %dma_wait3A_135 = arith.constant 0 : i32
    %dma_wait3A_136 = arith.constant 0 : i32
    %dma_wait3A_137 = arith.constant 0 : i32
    %dma_wait3A_138 = tpu.memref_slice %arg6[%dma_wait3A_135, %dma_wait3A_136, %dma_wait3A_137] : memref<2x128x128xf32, #tpu.memory_space<vmem>> -> memref<1x128x128xf32, #tpu.memory_space<vmem>>
    %dma_wait3A_139 = tpu.memref_squeeze %dma_wait3A_138 : memref<1x128x128xf32, #tpu.memory_space<vmem>> -> memref<128x128xf32, #tpu.memory_space<vmem>>
    %dma_wait3A_140 = arith.constant 0 : i32
    %dma_wait3A_141 = tpu.memref_slice %arg5[%dma_wait3A_134, %dma_wait3A_140] : memref<9x128xi32, #tpu.memory_space<vmem>> -> memref<1x128xi32, #tpu.memory_space<vmem>>
    %dma_wait3A_142 = tpu.memref_squeeze %dma_wait3A_141 : memref<1x128xi32, #tpu.memory_space<vmem>> -> memref<128xi32, #tpu.memory_space<vmem>>
    %dma_wait3A_143 = arith.constant 0 : i32
    %dma_wait3A_144 = arith.constant 0 : i32
    %dma_wait3A_145 = tpu.memref_slice %arg2[%dma_wait3A_143, %dma_wait3A_144] : memref<8192x128xf32, #tpu.memory_space<hbm>> -> memref<8192x128xf32, #tpu.memory_space<hbm>>
    tpu.wait_indirect_dma semaphore(%arg7 : memref<!tpu.dma_semaphore, #tpu.memory_space<semaphore_mem>>) src(%dma_wait3A_145 : memref<8192x128xf32, #tpu.memory_space<hbm>>) dst(%dma_wait3A_139 : memref<128x128xf32, #tpu.memory_space<vmem>>)
    %add3A_146 = arith.constant 512 : i32
    %add3A_147 = arith.addi %mul3A_4, %add3A_146 : i32
    %run_scoped3A_148 = arith.constant 0 : i32
    "tpu.region"() ({
      %run_scoped3A_245 = tpu.sem_alloc : memref<!tpu.dma_semaphore, #tpu.memory_space<semaphore_mem>>
      %dma_start3A_246 = arith.constant 0 : i32
      %dma_start3A_247 = arith.constant 0 : i32
      %dma_start3A_248 = tpu.memref_slice %arg6[%run_scoped3A_148, %dma_start3A_246, %dma_start3A_247] : memref<2x128x128xf32, #tpu.memory_space<vmem>> -> memref<1x128x128xf32, #tpu.memory_space<vmem>>
      %dma_start3A_249 = tpu.memref_squeeze %dma_start3A_248 : memref<1x128x128xf32, #tpu.memory_space<vmem>> -> memref<128x128xf32, #tpu.memory_space<vmem>>
      %dma_start3A_250 = arith.constant 0 : i32
      %dma_start3A_251 = tpu.memref_slice %arg4[%add3A_147, %dma_start3A_250] : memref<36864x128xf32, #tpu.memory_space<hbm>> -> memref<128x128xf32, #tpu.memory_space<hbm>>
      %dma_start3A_252 = arith.constant 0 : i32
      %dma_start3A_253 = tpu.memref_slice %arg4[%add3A_147, %dma_start3A_252] : memref<36864x128xf32, #tpu.memory_space<hbm>> -> memref<128x128xf32, #tpu.memory_space<hbm>>
      %dma_start3A_254 = arith.constant 0 : i32
      %dma_start3A_255 = arith.constant 0 : i32
      %dma_start3A_256 = tpu.memref_slice %arg6[%run_scoped3A_148, %dma_start3A_254, %dma_start3A_255] : memref<2x128x128xf32, #tpu.memory_space<vmem>> -> memref<1x128x128xf32, #tpu.memory_space<vmem>>
      %dma_start3A_257 = tpu.memref_squeeze %dma_start3A_256 : memref<1x128x128xf32, #tpu.memory_space<vmem>> -> memref<128x128xf32, #tpu.memory_space<vmem>>
      tpu.enqueue_dma source(%dma_start3A_257 : memref<128x128xf32, #tpu.memory_space<vmem>>) target(%dma_start3A_253 : memref<128x128xf32, #tpu.memory_space<hbm>>) target_semaphore(%run_scoped3A_245 : memref<!tpu.dma_semaphore, #tpu.memory_space<semaphore_mem>>)
      %dma_wait3A_258 = arith.constant 0 : i32
      %dma_wait3A_259 = arith.constant 0 : i32
      %dma_wait3A_260 = tpu.memref_slice %arg6[%run_scoped3A_148, %dma_wait3A_258, %dma_wait3A_259] : memref<2x128x128xf32, #tpu.memory_space<vmem>> -> memref<1x128x128xf32, #tpu.memory_space<vmem>>
      %dma_wait3A_261 = tpu.memref_squeeze %dma_wait3A_260 : memref<1x128x128xf32, #tpu.memory_space<vmem>> -> memref<128x128xf32, #tpu.memory_space<vmem>>
      %dma_wait3A_262 = arith.constant 0 : i32
      %dma_wait3A_263 = tpu.memref_slice %arg4[%add3A_147, %dma_wait3A_262] : memref<36864x128xf32, #tpu.memory_space<hbm>> -> memref<128x128xf32, #tpu.memory_space<hbm>>
      %dma_wait3A_264 = arith.constant 0 : i32
      %dma_wait3A_265 = tpu.memref_slice %arg4[%add3A_147, %dma_wait3A_264] : memref<36864x128xf32, #tpu.memory_space<hbm>> -> memref<128x128xf32, #tpu.memory_space<hbm>>
      %dma_wait3A_266 = arith.constant 0 : i32
      %dma_wait3A_267 = arith.constant 0 : i32
      %dma_wait3A_268 = tpu.memref_slice %arg6[%run_scoped3A_148, %dma_wait3A_266, %dma_wait3A_267] : memref<2x128x128xf32, #tpu.memory_space<vmem>> -> memref<1x128x128xf32, #tpu.memory_space<vmem>>
      %dma_wait3A_269 = tpu.memref_squeeze %dma_wait3A_268 : memref<1x128x128xf32, #tpu.memory_space<vmem>> -> memref<128x128xf32, #tpu.memory_space<vmem>>
      tpu.wait_dma2 semaphore(%run_scoped3A_245 : memref<!tpu.dma_semaphore, #tpu.memory_space<semaphore_mem>>) src(%dma_wait3A_269 : memref<128x128xf32, #tpu.memory_space<vmem>>) dst(%dma_wait3A_265 : memref<128x128xf32, #tpu.memory_space<hbm>>)
      tpu.yield
    }) : () -> ()
    %dma_start3A_149 = arith.constant 6 : i32
    %dma_start3A_150 = arith.constant 0 : i32
    %dma_start3A_151 = arith.constant 0 : i32
    %dma_start3A_152 = arith.constant 0 : i32
    %dma_start3A_153 = tpu.memref_slice %arg6[%dma_start3A_150, %dma_start3A_151, %dma_start3A_152] : memref<2x128x128xf32, #tpu.memory_space<vmem>> -> memref<1x128x128xf32, #tpu.memory_space<vmem>>
    %dma_start3A_154 = tpu.memref_squeeze %dma_start3A_153 : memref<1x128x128xf32, #tpu.memory_space<vmem>> -> memref<128x128xf32, #tpu.memory_space<vmem>>
    %dma_start3A_155 = arith.constant 0 : i32
    %dma_start3A_156 = tpu.memref_slice %arg5[%dma_start3A_149, %dma_start3A_155] : memref<9x128xi32, #tpu.memory_space<vmem>> -> memref<1x128xi32, #tpu.memory_space<vmem>>
    %dma_start3A_157 = tpu.memref_squeeze %dma_start3A_156 : memref<1x128xi32, #tpu.memory_space<vmem>> -> memref<128xi32, #tpu.memory_space<vmem>>
    %dma_start3A_158 = arith.constant 0 : i32
    %dma_start3A_159 = arith.constant 0 : i32
    %dma_start3A_160 = tpu.memref_slice %arg2[%dma_start3A_158, %dma_start3A_159] : memref<8192x128xf32, #tpu.memory_space<hbm>> -> memref<8192x128xf32, #tpu.memory_space<hbm>>
    tpu.enqueue_indirect_dma source(%dma_start3A_160 : memref<8192x128xf32, #tpu.memory_space<hbm>>) target(%dma_start3A_154 : memref<128x128xf32, #tpu.memory_space<vmem>>) offsets(%dma_start3A_157 : memref<128xi32, #tpu.memory_space<vmem>>) semaphore(%arg7 : memref<!tpu.dma_semaphore, #tpu.memory_space<semaphore_mem>>)
    %dma_wait3A_161 = arith.constant 5 : i32
    %dma_wait3A_162 = arith.constant 1 : i32
    %dma_wait3A_163 = arith.constant 0 : i32
    %dma_wait3A_164 = arith.constant 0 : i32
    %dma_wait3A_165 = tpu.memref_slice %arg6[%dma_wait3A_162, %dma_wait3A_163, %dma_wait3A_164] : memref<2x128x128xf32, #tpu.memory_space<vmem>> -> memref<1x128x128xf32, #tpu.memory_space<vmem>>
    %dma_wait3A_166 = tpu.memref_squeeze %dma_wait3A_165 : memref<1x128x128xf32, #tpu.memory_space<vmem>> -> memref<128x128xf32, #tpu.memory_space<vmem>>
    %dma_wait3A_167 = arith.constant 0 : i32
    %dma_wait3A_168 = tpu.memref_slice %arg5[%dma_wait3A_161, %dma_wait3A_167] : memref<9x128xi32, #tpu.memory_space<vmem>> -> memref<1x128xi32, #tpu.memory_space<vmem>>
    %dma_wait3A_169 = tpu.memref_squeeze %dma_wait3A_168 : memref<1x128xi32, #tpu.memory_space<vmem>> -> memref<128xi32, #tpu.memory_space<vmem>>
    %dma_wait3A_170 = arith.constant 0 : i32
    %dma_wait3A_171 = arith.constant 0 : i32
    %dma_wait3A_172 = tpu.memref_slice %arg2[%dma_wait3A_170, %dma_wait3A_171] : memref<8192x128xf32, #tpu.memory_space<hbm>> -> memref<8192x128xf32, #tpu.memory_space<hbm>>
    tpu.wait_indirect_dma semaphore(%arg7 : memref<!tpu.dma_semaphore, #tpu.memory_space<semaphore_mem>>) src(%dma_wait3A_172 : memref<8192x128xf32, #tpu.memory_space<hbm>>) dst(%dma_wait3A_166 : memref<128x128xf32, #tpu.memory_space<vmem>>)
    %add3A_173 = arith.constant 640 : i32
    %add3A_174 = arith.addi %mul3A_4, %add3A_173 : i32
    %run_scoped3A_175 = arith.constant 1 : i32
    "tpu.region"() ({
      %run_scoped3A_245 = tpu.sem_alloc : memref<!tpu.dma_semaphore, #tpu.memory_space<semaphore_mem>>
      %dma_start3A_246 = arith.constant 0 : i32
      %dma_start3A_247 = arith.constant 0 : i32
      %dma_start3A_248 = tpu.memref_slice %arg6[%run_scoped3A_175, %dma_start3A_246, %dma_start3A_247] : memref<2x128x128xf32, #tpu.memory_space<vmem>> -> memref<1x128x128xf32, #tpu.memory_space<vmem>>
      %dma_start3A_249 = tpu.memref_squeeze %dma_start3A_248 : memref<1x128x128xf32, #tpu.memory_space<vmem>> -> memref<128x128xf32, #tpu.memory_space<vmem>>
      %dma_start3A_250 = arith.constant 0 : i32
      %dma_start3A_251 = tpu.memref_slice %arg4[%add3A_174, %dma_start3A_250] : memref<36864x128xf32, #tpu.memory_space<hbm>> -> memref<128x128xf32, #tpu.memory_space<hbm>>
      %dma_start3A_252 = arith.constant 0 : i32
      %dma_start3A_253 = tpu.memref_slice %arg4[%add3A_174, %dma_start3A_252] : memref<36864x128xf32, #tpu.memory_space<hbm>> -> memref<128x128xf32, #tpu.memory_space<hbm>>
      %dma_start3A_254 = arith.constant 0 : i32
      %dma_start3A_255 = arith.constant 0 : i32
      %dma_start3A_256 = tpu.memref_slice %arg6[%run_scoped3A_175, %dma_start3A_254, %dma_start3A_255] : memref<2x128x128xf32, #tpu.memory_space<vmem>> -> memref<1x128x128xf32, #tpu.memory_space<vmem>>
      %dma_start3A_257 = tpu.memref_squeeze %dma_start3A_256 : memref<1x128x128xf32, #tpu.memory_space<vmem>> -> memref<128x128xf32, #tpu.memory_space<vmem>>
      tpu.enqueue_dma source(%dma_start3A_257 : memref<128x128xf32, #tpu.memory_space<vmem>>) target(%dma_start3A_253 : memref<128x128xf32, #tpu.memory_space<hbm>>) target_semaphore(%run_scoped3A_245 : memref<!tpu.dma_semaphore, #tpu.memory_space<semaphore_mem>>)
      %dma_wait3A_258 = arith.constant 0 : i32
      %dma_wait3A_259 = arith.constant 0 : i32
      %dma_wait3A_260 = tpu.memref_slice %arg6[%run_scoped3A_175, %dma_wait3A_258, %dma_wait3A_259] : memref<2x128x128xf32, #tpu.memory_space<vmem>> -> memref<1x128x128xf32, #tpu.memory_space<vmem>>
      %dma_wait3A_261 = tpu.memref_squeeze %dma_wait3A_260 : memref<1x128x128xf32, #tpu.memory_space<vmem>> -> memref<128x128xf32, #tpu.memory_space<vmem>>
      %dma_wait3A_262 = arith.constant 0 : i32
      %dma_wait3A_263 = tpu.memref_slice %arg4[%add3A_174, %dma_wait3A_262] : memref<36864x128xf32, #tpu.memory_space<hbm>> -> memref<128x128xf32, #tpu.memory_space<hbm>>
      %dma_wait3A_264 = arith.constant 0 : i32
      %dma_wait3A_265 = tpu.memref_slice %arg4[%add3A_174, %dma_wait3A_264] : memref<36864x128xf32, #tpu.memory_space<hbm>> -> memref<128x128xf32, #tpu.memory_space<hbm>>
      %dma_wait3A_266 = arith.constant 0 : i32
      %dma_wait3A_267 = arith.constant 0 : i32
      %dma_wait3A_268 = tpu.memref_slice %arg6[%run_scoped3A_175, %dma_wait3A_266, %dma_wait3A_267] : memref<2x128x128xf32, #tpu.memory_space<vmem>> -> memref<1x128x128xf32, #tpu.memory_space<vmem>>
      %dma_wait3A_269 = tpu.memref_squeeze %dma_wait3A_268 : memref<1x128x128xf32, #tpu.memory_space<vmem>> -> memref<128x128xf32, #tpu.memory_space<vmem>>
      tpu.wait_dma2 semaphore(%run_scoped3A_245 : memref<!tpu.dma_semaphore, #tpu.memory_space<semaphore_mem>>) src(%dma_wait3A_269 : memref<128x128xf32, #tpu.memory_space<vmem>>) dst(%dma_wait3A_265 : memref<128x128xf32, #tpu.memory_space<hbm>>)
      tpu.yield
    }) : () -> ()
    %dma_start3A_176 = arith.constant 7 : i32
    %dma_start3A_177 = arith.constant 1 : i32
    %dma_start3A_178 = arith.constant 0 : i32
    %dma_start3A_179 = arith.constant 0 : i32
    %dma_start3A_180 = tpu.memref_slice %arg6[%dma_start3A_177, %dma_start3A_178, %dma_start3A_179] : memref<2x128x128xf32, #tpu.memory_space<vmem>> -> memref<1x128x128xf32, #tpu.memory_space<vmem>>
    %dma_start3A_181 = tpu.memref_squeeze %dma_start3A_180 : memref<1x128x128xf32, #tpu.memory_space<vmem>> -> memref<128x128xf32, #tpu.memory_space<vmem>>
    %dma_start3A_182 = arith.constant 0 : i32
    %dma_start3A_183 = tpu.memref_slice %arg5[%dma_start3A_176, %dma_start3A_182] : memref<9x128xi32, #tpu.memory_space<vmem>> -> memref<1x128xi32, #tpu.memory_space<vmem>>
    %dma_start3A_184 = tpu.memref_squeeze %dma_start3A_183 : memref<1x128xi32, #tpu.memory_space<vmem>> -> memref<128xi32, #tpu.memory_space<vmem>>
    %dma_start3A_185 = arith.constant 0 : i32
    %dma_start3A_186 = arith.constant 0 : i32
    %dma_start3A_187 = tpu.memref_slice %arg2[%dma_start3A_185, %dma_start3A_186] : memref<8192x128xf32, #tpu.memory_space<hbm>> -> memref<8192x128xf32, #tpu.memory_space<hbm>>
    tpu.enqueue_indirect_dma source(%dma_start3A_187 : memref<8192x128xf32, #tpu.memory_space<hbm>>) target(%dma_start3A_181 : memref<128x128xf32, #tpu.memory_space<vmem>>) offsets(%dma_start3A_184 : memref<128xi32, #tpu.memory_space<vmem>>) semaphore(%arg7 : memref<!tpu.dma_semaphore, #tpu.memory_space<semaphore_mem>>)
    %dma_wait3A_188 = arith.constant 6 : i32
    %dma_wait3A_189 = arith.constant 0 : i32
    %dma_wait3A_190 = arith.constant 0 : i32
    %dma_wait3A_191 = arith.constant 0 : i32
    %dma_wait3A_192 = tpu.memref_slice %arg6[%dma_wait3A_189, %dma_wait3A_190, %dma_wait3A_191] : memref<2x128x128xf32, #tpu.memory_space<vmem>> -> memref<1x128x128xf32, #tpu.memory_space<vmem>>
    %dma_wait3A_193 = tpu.memref_squeeze %dma_wait3A_192 : memref<1x128x128xf32, #tpu.memory_space<vmem>> -> memref<128x128xf32, #tpu.memory_space<vmem>>
    %dma_wait3A_194 = arith.constant 0 : i32
    %dma_wait3A_195 = tpu.memref_slice %arg5[%dma_wait3A_188, %dma_wait3A_194] : memref<9x128xi32, #tpu.memory_space<vmem>> -> memref<1x128xi32, #tpu.memory_space<vmem>>
    %dma_wait3A_196 = tpu.memref_squeeze %dma_wait3A_195 : memref<1x128xi32, #tpu.memory_space<vmem>> -> memref<128xi32, #tpu.memory_space<vmem>>
    %dma_wait3A_197 = arith.constant 0 : i32
    %dma_wait3A_198 = arith.constant 0 : i32
    %dma_wait3A_199 = tpu.memref_slice %arg2[%dma_wait3A_197, %dma_wait3A_198] : memref<8192x128xf32, #tpu.memory_space<hbm>> -> memref<8192x128xf32, #tpu.memory_space<hbm>>
    tpu.wait_indirect_dma semaphore(%arg7 : memref<!tpu.dma_semaphore, #tpu.memory_space<semaphore_mem>>) src(%dma_wait3A_199 : memref<8192x128xf32, #tpu.memory_space<hbm>>) dst(%dma_wait3A_193 : memref<128x128xf32, #tpu.memory_space<vmem>>)
    %add3A_200 = arith.constant 768 : i32
    %add3A_201 = arith.addi %mul3A_4, %add3A_200 : i32
    %run_scoped3A_202 = arith.constant 0 : i32
    "tpu.region"() ({
      %run_scoped3A_245 = tpu.sem_alloc : memref<!tpu.dma_semaphore, #tpu.memory_space<semaphore_mem>>
      %dma_start3A_246 = arith.constant 0 : i32
      %dma_start3A_247 = arith.constant 0 : i32
      %dma_start3A_248 = tpu.memref_slice %arg6[%run_scoped3A_202, %dma_start3A_246, %dma_start3A_247] : memref<2x128x128xf32, #tpu.memory_space<vmem>> -> memref<1x128x128xf32, #tpu.memory_space<vmem>>
      %dma_start3A_249 = tpu.memref_squeeze %dma_start3A_248 : memref<1x128x128xf32, #tpu.memory_space<vmem>> -> memref<128x128xf32, #tpu.memory_space<vmem>>
      %dma_start3A_250 = arith.constant 0 : i32
      %dma_start3A_251 = tpu.memref_slice %arg4[%add3A_201, %dma_start3A_250] : memref<36864x128xf32, #tpu.memory_space<hbm>> -> memref<128x128xf32, #tpu.memory_space<hbm>>
      %dma_start3A_252 = arith.constant 0 : i32
      %dma_start3A_253 = tpu.memref_slice %arg4[%add3A_201, %dma_start3A_252] : memref<36864x128xf32, #tpu.memory_space<hbm>> -> memref<128x128xf32, #tpu.memory_space<hbm>>
      %dma_start3A_254 = arith.constant 0 : i32
      %dma_start3A_255 = arith.constant 0 : i32
      %dma_start3A_256 = tpu.memref_slice %arg6[%run_scoped3A_202, %dma_start3A_254, %dma_start3A_255] : memref<2x128x128xf32, #tpu.memory_space<vmem>> -> memref<1x128x128xf32, #tpu.memory_space<vmem>>
      %dma_start3A_257 = tpu.memref_squeeze %dma_start3A_256 : memref<1x128x128xf32, #tpu.memory_space<vmem>> -> memref<128x128xf32, #tpu.memory_space<vmem>>
      tpu.enqueue_dma source(%dma_start3A_257 : memref<128x128xf32, #tpu.memory_space<vmem>>) target(%dma_start3A_253 : memref<128x128xf32, #tpu.memory_space<hbm>>) target_semaphore(%run_scoped3A_245 : memref<!tpu.dma_semaphore, #tpu.memory_space<semaphore_mem>>)
      %dma_wait3A_258 = arith.constant 0 : i32
      %dma_wait3A_259 = arith.constant 0 : i32
      %dma_wait3A_260 = tpu.memref_slice %arg6[%run_scoped3A_202, %dma_wait3A_258, %dma_wait3A_259] : memref<2x128x128xf32, #tpu.memory_space<vmem>> -> memref<1x128x128xf32, #tpu.memory_space<vmem>>
      %dma_wait3A_261 = tpu.memref_squeeze %dma_wait3A_260 : memref<1x128x128xf32, #tpu.memory_space<vmem>> -> memref<128x128xf32, #tpu.memory_space<vmem>>
      %dma_wait3A_262 = arith.constant 0 : i32
      %dma_wait3A_263 = tpu.memref_slice %arg4[%add3A_201, %dma_wait3A_262] : memref<36864x128xf32, #tpu.memory_space<hbm>> -> memref<128x128xf32, #tpu.memory_space<hbm>>
      %dma_wait3A_264 = arith.constant 0 : i32
      %dma_wait3A_265 = tpu.memref_slice %arg4[%add3A_201, %dma_wait3A_264] : memref<36864x128xf32, #tpu.memory_space<hbm>> -> memref<128x128xf32, #tpu.memory_space<hbm>>
      %dma_wait3A_266 = arith.constant 0 : i32
      %dma_wait3A_267 = arith.constant 0 : i32
      %dma_wait3A_268 = tpu.memref_slice %arg6[%run_scoped3A_202, %dma_wait3A_266, %dma_wait3A_267] : memref<2x128x128xf32, #tpu.memory_space<vmem>> -> memref<1x128x128xf32, #tpu.memory_space<vmem>>
      %dma_wait3A_269 = tpu.memref_squeeze %dma_wait3A_268 : memref<1x128x128xf32, #tpu.memory_space<vmem>> -> memref<128x128xf32, #tpu.memory_space<vmem>>
      tpu.wait_dma2 semaphore(%run_scoped3A_245 : memref<!tpu.dma_semaphore, #tpu.memory_space<semaphore_mem>>) src(%dma_wait3A_269 : memref<128x128xf32, #tpu.memory_space<vmem>>) dst(%dma_wait3A_265 : memref<128x128xf32, #tpu.memory_space<hbm>>)
      tpu.yield
    }) : () -> ()
    %dma_start3A_203 = arith.constant 8 : i32
    %dma_start3A_204 = arith.constant 0 : i32
    %dma_start3A_205 = arith.constant 0 : i32
    %dma_start3A_206 = arith.constant 0 : i32
    %dma_start3A_207 = tpu.memref_slice %arg6[%dma_start3A_204, %dma_start3A_205, %dma_start3A_206] : memref<2x128x128xf32, #tpu.memory_space<vmem>> -> memref<1x128x128xf32, #tpu.memory_space<vmem>>
    %dma_start3A_208 = tpu.memref_squeeze %dma_start3A_207 : memref<1x128x128xf32, #tpu.memory_space<vmem>> -> memref<128x128xf32, #tpu.memory_space<vmem>>
    %dma_start3A_209 = arith.constant 0 : i32
    %dma_start3A_210 = tpu.memref_slice %arg5[%dma_start3A_203, %dma_start3A_209] : memref<9x128xi32, #tpu.memory_space<vmem>> -> memref<1x128xi32, #tpu.memory_space<vmem>>
    %dma_start3A_211 = tpu.memref_squeeze %dma_start3A_210 : memref<1x128xi32, #tpu.memory_space<vmem>> -> memref<128xi32, #tpu.memory_space<vmem>>
    %dma_start3A_212 = arith.constant 0 : i32
    %dma_start3A_213 = arith.constant 0 : i32
    %dma_start3A_214 = tpu.memref_slice %arg2[%dma_start3A_212, %dma_start3A_213] : memref<8192x128xf32, #tpu.memory_space<hbm>> -> memref<8192x128xf32, #tpu.memory_space<hbm>>
    tpu.enqueue_indirect_dma source(%dma_start3A_214 : memref<8192x128xf32, #tpu.memory_space<hbm>>) target(%dma_start3A_208 : memref<128x128xf32, #tpu.memory_space<vmem>>) offsets(%dma_start3A_211 : memref<128xi32, #tpu.memory_space<vmem>>) semaphore(%arg7 : memref<!tpu.dma_semaphore, #tpu.memory_space<semaphore_mem>>)
    %dma_wait3A_215 = arith.constant 7 : i32
    %dma_wait3A_216 = arith.constant 1 : i32
    %dma_wait3A_217 = arith.constant 0 : i32
    %dma_wait3A_218 = arith.constant 0 : i32
    %dma_wait3A_219 = tpu.memref_slice %arg6[%dma_wait3A_216, %dma_wait3A_217, %dma_wait3A_218] : memref<2x128x128xf32, #tpu.memory_space<vmem>> -> memref<1x128x128xf32, #tpu.memory_space<vmem>>
    %dma_wait3A_220 = tpu.memref_squeeze %dma_wait3A_219 : memref<1x128x128xf32, #tpu.memory_space<vmem>> -> memref<128x128xf32, #tpu.memory_space<vmem>>
    %dma_wait3A_221 = arith.constant 0 : i32
    %dma_wait3A_222 = tpu.memref_slice %arg5[%dma_wait3A_215, %dma_wait3A_221] : memref<9x128xi32, #tpu.memory_space<vmem>> -> memref<1x128xi32, #tpu.memory_space<vmem>>
    %dma_wait3A_223 = tpu.memref_squeeze %dma_wait3A_222 : memref<1x128xi32, #tpu.memory_space<vmem>> -> memref<128xi32, #tpu.memory_space<vmem>>
    %dma_wait3A_224 = arith.constant 0 : i32
    %dma_wait3A_225 = arith.constant 0 : i32
    %dma_wait3A_226 = tpu.memref_slice %arg2[%dma_wait3A_224, %dma_wait3A_225] : memref<8192x128xf32, #tpu.memory_space<hbm>> -> memref<8192x128xf32, #tpu.memory_space<hbm>>
    tpu.wait_indirect_dma semaphore(%arg7 : memref<!tpu.dma_semaphore, #tpu.memory_space<semaphore_mem>>) src(%dma_wait3A_226 : memref<8192x128xf32, #tpu.memory_space<hbm>>) dst(%dma_wait3A_220 : memref<128x128xf32, #tpu.memory_space<vmem>>)
    %add3A_227 = arith.constant 896 : i32
    %add3A_228 = arith.addi %mul3A_4, %add3A_227 : i32
    %run_scoped3A_229 = arith.constant 1 : i32
    "tpu.region"() ({
      %run_scoped3A_245 = tpu.sem_alloc : memref<!tpu.dma_semaphore, #tpu.memory_space<semaphore_mem>>
      %dma_start3A_246 = arith.constant 0 : i32
      %dma_start3A_247 = arith.constant 0 : i32
      %dma_start3A_248 = tpu.memref_slice %arg6[%run_scoped3A_229, %dma_start3A_246, %dma_start3A_247] : memref<2x128x128xf32, #tpu.memory_space<vmem>> -> memref<1x128x128xf32, #tpu.memory_space<vmem>>
      %dma_start3A_249 = tpu.memref_squeeze %dma_start3A_248 : memref<1x128x128xf32, #tpu.memory_space<vmem>> -> memref<128x128xf32, #tpu.memory_space<vmem>>
      %dma_start3A_250 = arith.constant 0 : i32
      %dma_start3A_251 = tpu.memref_slice %arg4[%add3A_228, %dma_start3A_250] : memref<36864x128xf32, #tpu.memory_space<hbm>> -> memref<128x128xf32, #tpu.memory_space<hbm>>
      %dma_start3A_252 = arith.constant 0 : i32
      %dma_start3A_253 = tpu.memref_slice %arg4[%add3A_228, %dma_start3A_252] : memref<36864x128xf32, #tpu.memory_space<hbm>> -> memref<128x128xf32, #tpu.memory_space<hbm>>
      %dma_start3A_254 = arith.constant 0 : i32
      %dma_start3A_255 = arith.constant 0 : i32
      %dma_start3A_256 = tpu.memref_slice %arg6[%run_scoped3A_229, %dma_start3A_254, %dma_start3A_255] : memref<2x128x128xf32, #tpu.memory_space<vmem>> -> memref<1x128x128xf32, #tpu.memory_space<vmem>>
      %dma_start3A_257 = tpu.memref_squeeze %dma_start3A_256 : memref<1x128x128xf32, #tpu.memory_space<vmem>> -> memref<128x128xf32, #tpu.memory_space<vmem>>
      tpu.enqueue_dma source(%dma_start3A_257 : memref<128x128xf32, #tpu.memory_space<vmem>>) target(%dma_start3A_253 : memref<128x128xf32, #tpu.memory_space<hbm>>) target_semaphore(%run_scoped3A_245 : memref<!tpu.dma_semaphore, #tpu.memory_space<semaphore_mem>>)
      %dma_wait3A_258 = arith.constant 0 : i32
      %dma_wait3A_259 = arith.constant 0 : i32
      %dma_wait3A_260 = tpu.memref_slice %arg6[%run_scoped3A_229, %dma_wait3A_258, %dma_wait3A_259] : memref<2x128x128xf32, #tpu.memory_space<vmem>> -> memref<1x128x128xf32, #tpu.memory_space<vmem>>
      %dma_wait3A_261 = tpu.memref_squeeze %dma_wait3A_260 : memref<1x128x128xf32, #tpu.memory_space<vmem>> -> memref<128x128xf32, #tpu.memory_space<vmem>>
      %dma_wait3A_262 = arith.constant 0 : i32
      %dma_wait3A_263 = tpu.memref_slice %arg4[%add3A_228, %dma_wait3A_262] : memref<36864x128xf32, #tpu.memory_space<hbm>> -> memref<128x128xf32, #tpu.memory_space<hbm>>
      %dma_wait3A_264 = arith.constant 0 : i32
      %dma_wait3A_265 = tpu.memref_slice %arg4[%add3A_228, %dma_wait3A_264] : memref<36864x128xf32, #tpu.memory_space<hbm>> -> memref<128x128xf32, #tpu.memory_space<hbm>>
      %dma_wait3A_266 = arith.constant 0 : i32
      %dma_wait3A_267 = arith.constant 0 : i32
      %dma_wait3A_268 = tpu.memref_slice %arg6[%run_scoped3A_229, %dma_wait3A_266, %dma_wait3A_267] : memref<2x128x128xf32, #tpu.memory_space<vmem>> -> memref<1x128x128xf32, #tpu.memory_space<vmem>>
      %dma_wait3A_269 = tpu.memref_squeeze %dma_wait3A_268 : memref<1x128x128xf32, #tpu.memory_space<vmem>> -> memref<128x128xf32, #tpu.memory_space<vmem>>
      tpu.wait_dma2 semaphore(%run_scoped3A_245 : memref<!tpu.dma_semaphore, #tpu.memory_space<semaphore_mem>>) src(%dma_wait3A_269 : memref<128x128xf32, #tpu.memory_space<vmem>>) dst(%dma_wait3A_265 : memref<128x128xf32, #tpu.memory_space<hbm>>)
      tpu.yield
    }) : () -> ()
    %dma_wait3A_230 = arith.constant 8 : i32
    %dma_wait3A_231 = arith.constant 0 : i32
    %dma_wait3A_232 = arith.constant 0 : i32
    %dma_wait3A_233 = arith.constant 0 : i32
    %dma_wait3A_234 = tpu.memref_slice %arg6[%dma_wait3A_231, %dma_wait3A_232, %dma_wait3A_233] : memref<2x128x128xf32, #tpu.memory_space<vmem>> -> memref<1x128x128xf32, #tpu.memory_space<vmem>>
    %dma_wait3A_235 = tpu.memref_squeeze %dma_wait3A_234 : memref<1x128x128xf32, #tpu.memory_space<vmem>> -> memref<128x128xf32, #tpu.memory_space<vmem>>
    %dma_wait3A_236 = arith.constant 0 : i32
    %dma_wait3A_237 = tpu.memref_slice %arg5[%dma_wait3A_230, %dma_wait3A_236] : memref<9x128xi32, #tpu.memory_space<vmem>> -> memref<1x128xi32, #tpu.memory_space<vmem>>
    %dma_wait3A_238 = tpu.memref_squeeze %dma_wait3A_237 : memref<1x128xi32, #tpu.memory_space<vmem>> -> memref<128xi32, #tpu.memory_space<vmem>>
    %dma_wait3A_239 = arith.constant 0 : i32
    %dma_wait3A_240 = arith.constant 0 : i32
    %dma_wait3A_241 = tpu.memref_slice %arg2[%dma_wait3A_239, %dma_wait3A_240] : memref<8192x128xf32, #tpu.memory_space<hbm>> -> memref<8192x128xf32, #tpu.memory_space<hbm>>
    tpu.wait_indirect_dma semaphore(%arg7 : memref<!tpu.dma_semaphore, #tpu.memory_space<semaphore_mem>>) src(%dma_wait3A_241 : memref<8192x128xf32, #tpu.memory_space<hbm>>) dst(%dma_wait3A_235 : memref<128x128xf32, #tpu.memory_space<vmem>>)
    %add3A_242 = arith.constant 1024 : i32
    %add3A_243 = arith.addi %mul3A_4, %add3A_242 : i32
    %run_scoped3A_244 = arith.constant 0 : i32
    "tpu.region"() ({
      %run_scoped3A_245 = tpu.sem_alloc : memref<!tpu.dma_semaphore, #tpu.memory_space<semaphore_mem>>
      %dma_start3A_246 = arith.constant 0 : i32
      %dma_start3A_247 = arith.constant 0 : i32
      %dma_start3A_248 = tpu.memref_slice %arg6[%run_scoped3A_244, %dma_start3A_246, %dma_start3A_247] : memref<2x128x128xf32, #tpu.memory_space<vmem>> -> memref<1x128x128xf32, #tpu.memory_space<vmem>>
      %dma_start3A_249 = tpu.memref_squeeze %dma_start3A_248 : memref<1x128x128xf32, #tpu.memory_space<vmem>> -> memref<128x128xf32, #tpu.memory_space<vmem>>
      %dma_start3A_250 = arith.constant 0 : i32
      %dma_start3A_251 = tpu.memref_slice %arg4[%add3A_243, %dma_start3A_250] : memref<36864x128xf32, #tpu.memory_space<hbm>> -> memref<128x128xf32, #tpu.memory_space<hbm>>
      %dma_start3A_252 = arith.constant 0 : i32
      %dma_start3A_253 = tpu.memref_slice %arg4[%add3A_243, %dma_start3A_252] : memref<36864x128xf32, #tpu.memory_space<hbm>> -> memref<128x128xf32, #tpu.memory_space<hbm>>
      %dma_start3A_254 = arith.constant 0 : i32
      %dma_start3A_255 = arith.constant 0 : i32
      %dma_start3A_256 = tpu.memref_slice %arg6[%run_scoped3A_244, %dma_start3A_254, %dma_start3A_255] : memref<2x128x128xf32, #tpu.memory_space<vmem>> -> memref<1x128x128xf32, #tpu.memory_space<vmem>>
      %dma_start3A_257 = tpu.memref_squeeze %dma_start3A_256 : memref<1x128x128xf32, #tpu.memory_space<vmem>> -> memref<128x128xf32, #tpu.memory_space<vmem>>
      tpu.enqueue_dma source(%dma_start3A_257 : memref<128x128xf32, #tpu.memory_space<vmem>>) target(%dma_start3A_253 : memref<128x128xf32, #tpu.memory_space<hbm>>) target_semaphore(%run_scoped3A_245 : memref<!tpu.dma_semaphore, #tpu.memory_space<semaphore_mem>>)
      %dma_wait3A_258 = arith.constant 0 : i32
      %dma_wait3A_259 = arith.constant 0 : i32
      %dma_wait3A_260 = tpu.memref_slice %arg6[%run_scoped3A_244, %dma_wait3A_258, %dma_wait3A_259] : memref<2x128x128xf32, #tpu.memory_space<vmem>> -> memref<1x128x128xf32, #tpu.memory_space<vmem>>
      %dma_wait3A_261 = tpu.memref_squeeze %dma_wait3A_260 : memref<1x128x128xf32, #tpu.memory_space<vmem>> -> memref<128x128xf32, #tpu.memory_space<vmem>>
      %dma_wait3A_262 = arith.constant 0 : i32
      %dma_wait3A_263 = tpu.memref_slice %arg4[%add3A_243, %dma_wait3A_262] : memref<36864x128xf32, #tpu.memory_space<hbm>> -> memref<128x128xf32, #tpu.memory_space<hbm>>
      %dma_wait3A_264 = arith.constant 0 : i32
      %dma_wait3A_265 = tpu.memref_slice %arg4[%add3A_243, %dma_wait3A_264] : memref<36864x128xf32, #tpu.memory_space<hbm>> -> memref<128x128xf32, #tpu.memory_space<hbm>>
      %dma_wait3A_266 = arith.constant 0 : i32
      %dma_wait3A_267 = arith.constant 0 : i32
      %dma_wait3A_268 = tpu.memref_slice %arg6[%run_scoped3A_244, %dma_wait3A_266, %dma_wait3A_267] : memref<2x128x128xf32, #tpu.memory_space<vmem>> -> memref<1x128x128xf32, #tpu.memory_space<vmem>>
      %dma_wait3A_269 = tpu.memref_squeeze %dma_wait3A_268 : memref<1x128x128xf32, #tpu.memory_space<vmem>> -> memref<128x128xf32, #tpu.memory_space<vmem>>
      tpu.wait_dma2 semaphore(%run_scoped3A_245 : memref<!tpu.dma_semaphore, #tpu.memory_space<semaphore_mem>>) src(%dma_wait3A_269 : memref<128x128xf32, #tpu.memory_space<vmem>>) dst(%dma_wait3A_265 : memref<128x128xf32, #tpu.memory_space<hbm>>)
      tpu.yield
    }) : () -> ()
    return
  }
}

module attributes {stable_mosaic.version = 14 : i64} {
  func.func @_match_body(%arg0: i32, %arg1: memref<1024x64xf32, #tpu.memory_space<vmem>>, %arg2: memref<64x8192xf32, #tpu.memory_space<vmem>>, %arg3: memref<1024x1xi32, #tpu.memory_space<vmem>>, %arg4: memref<1024x1xf32, #tpu.memory_space<vmem>>) attributes {dimension_semantics = [#tpu.dimension_semantics<arbitrary>], iteration_bounds = array<i64: 36>, scalar_prefetch = 0 : i64, scratch_operands = 0 : i64, tpu.core_type = #tpu.core_type<tc>, window_params = [{transform_indices = @transform_0, window_bounds = array<i64: 1024, 64>}, {pipeline_mode = #tpu.pipeline_mode<synchronous>, transform_indices = @transform_1, window_bounds = array<i64: 64, 8192>}, {transform_indices = @transform_2, window_bounds = array<i64: 1024, 1>}, {transform_indices = @transform_3, window_bounds = array<i64: 1024, 1>}]} {
    %get3A = arith.constant 0 : index
    %get3A_0 = arith.constant 0 : index
    %get3A_1 = vector.load %arg1[%get3A, %get3A_0] : memref<1024x64xf32, #tpu.memory_space<vmem>>, vector<1024x64xf32>
    %get3A_2 = arith.constant 0 : index
    %get3A_3 = arith.constant 0 : index
    %get3A_4 = vector.load %arg2[%get3A_2, %get3A_3] : memref<64x8192xf32, #tpu.memory_space<vmem>>, vector<64x1024xf32>
    %dot_general3A = arith.constant dense<0.000000e+00> : vector<1024x1024xf32>
    %dot_general3A_5 = tpu.matmul %get3A_1, %get3A_4, %dot_general3A {dimension_numbers = #tpu.dot_dimension_numbers<[1], [0], [0], [1], [0, 0, 1, 1], [], []>, transpose_lhs_hint = false} : vector<1024x64xf32>, vector<64x1024xf32>, vector<1024x1024xf32> -> vector<1024x1024xf32>
    %reduce_max3A = arith.constant dense<0xFF800000> : vector<1024xf32>
    %reduce_max3A_6 = vector.multi_reduction <maximumf>, %dot_general3A_5, %reduce_max3A [1] : vector<1024x1024xf32> to vector<1024xf32>
    %broadcast_in_dim3A = vector.shape_cast %reduce_max3A_6 : vector<1024xf32> to vector<1024x1xf32>
    %iota3A = tpu.iota {dimensions = array<i32: 1>} : vector<1024x1024xi32>
    %add3A = arith.constant 0 : i32
    %add3A_7 = vector.broadcast %add3A : i32 to vector<1024x1024xi32>
    %add3A_8 = arith.addi %iota3A, %add3A_7 : vector<1024x1024xi32>
    %convert_element_type3A = arith.sitofp %add3A_8 : vector<1024x1024xi32> to vector<1024x1024xf32>
    %eq3A = vector.broadcast %broadcast_in_dim3A : vector<1024x1xf32> to vector<1024x1024xf32>
    %eq3A_9 = arith.cmpf oeq, %dot_general3A_5, %eq3A : vector<1024x1024xf32>
    %jit3A = arith.constant 0x7F800000 : f32
    %broadcast_in_dim3A_10 = vector.broadcast %jit3A : f32 to vector<1024x1024xf32>
    %select_n3A = arith.select %eq3A_9, %convert_element_type3A, %broadcast_in_dim3A_10 : vector<1024x1024xi1>, vector<1024x1024xf32>
    %reduce_min3A = arith.constant dense<0x7F800000> : vector<1024xf32>
    %reduce_min3A_11 = vector.multi_reduction <minimumf>, %select_n3A, %reduce_min3A [1] : vector<1024x1024xf32> to vector<1024xf32>
    %broadcast_in_dim3A_12 = vector.shape_cast %reduce_min3A_11 : vector<1024xf32> to vector<1024x1xf32>
    %eq3A_13 = vector.broadcast %broadcast_in_dim3A_12 : vector<1024x1xf32> to vector<1024x1024xf32>
    %eq3A_14 = arith.cmpf oeq, %convert_element_type3A, %eq3A_13 : vector<1024x1024xf32>
    %jit3A_15 = arith.constant 0xFF800000 : f32
    %broadcast_in_dim3A_16 = vector.broadcast %jit3A_15 : f32 to vector<1024x1024xf32>
    %select_n3A_17 = arith.select %eq3A_14, %broadcast_in_dim3A_16, %dot_general3A_5 : vector<1024x1024xi1>, vector<1024x1024xf32>
    %reduce_max3A_18 = arith.constant dense<0xFF800000> : vector<1024xf32>
    %reduce_max3A_19 = vector.multi_reduction <maximumf>, %select_n3A_17, %reduce_max3A_18 [1] : vector<1024x1024xf32> to vector<1024xf32>
    %broadcast_in_dim3A_20 = vector.shape_cast %reduce_max3A_19 : vector<1024xf32> to vector<1024x1xf32>
    %get3A_21 = arith.constant 0 : index
    %get3A_22 = arith.constant 1024 : index
    %get3A_23 = vector.load %arg2[%get3A_21, %get3A_22] : memref<64x8192xf32, #tpu.memory_space<vmem>>, vector<64x1024xf32>
    %dot_general3A_24 = arith.constant dense<0.000000e+00> : vector<1024x1024xf32>
    %dot_general3A_25 = tpu.matmul %get3A_1, %get3A_23, %dot_general3A_24 {dimension_numbers = #tpu.dot_dimension_numbers<[1], [0], [0], [1], [0, 0, 1, 1], [], []>, transpose_lhs_hint = false} : vector<1024x64xf32>, vector<64x1024xf32>, vector<1024x1024xf32> -> vector<1024x1024xf32>
    %reduce_max3A_26 = arith.constant dense<0xFF800000> : vector<1024xf32>
    %reduce_max3A_27 = vector.multi_reduction <maximumf>, %dot_general3A_25, %reduce_max3A_26 [1] : vector<1024x1024xf32> to vector<1024xf32>
    %broadcast_in_dim3A_28 = vector.shape_cast %reduce_max3A_27 : vector<1024xf32> to vector<1024x1xf32>
    %iota3A_29 = tpu.iota {dimensions = array<i32: 1>} : vector<1024x1024xi32>
    %add3A_30 = arith.constant 1024 : i32
    %add3A_31 = vector.broadcast %add3A_30 : i32 to vector<1024x1024xi32>
    %add3A_32 = arith.addi %iota3A_29, %add3A_31 : vector<1024x1024xi32>
    %convert_element_type3A_33 = arith.sitofp %add3A_32 : vector<1024x1024xi32> to vector<1024x1024xf32>
    %eq3A_34 = vector.broadcast %broadcast_in_dim3A_28 : vector<1024x1xf32> to vector<1024x1024xf32>
    %eq3A_35 = arith.cmpf oeq, %dot_general3A_25, %eq3A_34 : vector<1024x1024xf32>
    %jit3A_36 = arith.constant 0x7F800000 : f32
    %broadcast_in_dim3A_37 = vector.broadcast %jit3A_36 : f32 to vector<1024x1024xf32>
    %select_n3A_38 = arith.select %eq3A_35, %convert_element_type3A_33, %broadcast_in_dim3A_37 : vector<1024x1024xi1>, vector<1024x1024xf32>
    %reduce_min3A_39 = arith.constant dense<0x7F800000> : vector<1024xf32>
    %reduce_min3A_40 = vector.multi_reduction <minimumf>, %select_n3A_38, %reduce_min3A_39 [1] : vector<1024x1024xf32> to vector<1024xf32>
    %broadcast_in_dim3A_41 = vector.shape_cast %reduce_min3A_40 : vector<1024xf32> to vector<1024x1xf32>
    %eq3A_42 = vector.broadcast %broadcast_in_dim3A_41 : vector<1024x1xf32> to vector<1024x1024xf32>
    %eq3A_43 = arith.cmpf oeq, %convert_element_type3A_33, %eq3A_42 : vector<1024x1024xf32>
    %jit3A_44 = arith.constant 0xFF800000 : f32
    %broadcast_in_dim3A_45 = vector.broadcast %jit3A_44 : f32 to vector<1024x1024xf32>
    %select_n3A_46 = arith.select %eq3A_43, %broadcast_in_dim3A_45, %dot_general3A_25 : vector<1024x1024xi1>, vector<1024x1024xf32>
    %reduce_max3A_47 = arith.constant dense<0xFF800000> : vector<1024xf32>
    %reduce_max3A_48 = vector.multi_reduction <maximumf>, %select_n3A_46, %reduce_max3A_47 [1] : vector<1024x1024xf32> to vector<1024xf32>
    %broadcast_in_dim3A_49 = vector.shape_cast %reduce_max3A_48 : vector<1024xf32> to vector<1024x1xf32>
    %gt3A = arith.cmpf ogt, %broadcast_in_dim3A_28, %broadcast_in_dim3A : vector<1024x1xf32>
    %min3A = arith.minimumf %broadcast_in_dim3A_28, %broadcast_in_dim3A : vector<1024x1xf32>
    %max3A = arith.maximumf %broadcast_in_dim3A_49, %broadcast_in_dim3A_20 : vector<1024x1xf32>
    %max3A_50 = arith.maximumf %min3A, %max3A : vector<1024x1xf32>
    %select_n3A_51 = arith.select %gt3A, %broadcast_in_dim3A_28, %broadcast_in_dim3A : vector<1024x1xi1>, vector<1024x1xf32>
    %select_n3A_52 = arith.select %gt3A, %broadcast_in_dim3A_41, %broadcast_in_dim3A_12 : vector<1024x1xi1>, vector<1024x1xf32>
    %get3A_53 = arith.constant 0 : index
    %get3A_54 = arith.constant 2048 : index
    %get3A_55 = vector.load %arg2[%get3A_53, %get3A_54] : memref<64x8192xf32, #tpu.memory_space<vmem>>, vector<64x1024xf32>
    %dot_general3A_56 = arith.constant dense<0.000000e+00> : vector<1024x1024xf32>
    %dot_general3A_57 = tpu.matmul %get3A_1, %get3A_55, %dot_general3A_56 {dimension_numbers = #tpu.dot_dimension_numbers<[1], [0], [0], [1], [0, 0, 1, 1], [], []>, transpose_lhs_hint = false} : vector<1024x64xf32>, vector<64x1024xf32>, vector<1024x1024xf32> -> vector<1024x1024xf32>
    %reduce_max3A_58 = arith.constant dense<0xFF800000> : vector<1024xf32>
    %reduce_max3A_59 = vector.multi_reduction <maximumf>, %dot_general3A_57, %reduce_max3A_58 [1] : vector<1024x1024xf32> to vector<1024xf32>
    %broadcast_in_dim3A_60 = vector.shape_cast %reduce_max3A_59 : vector<1024xf32> to vector<1024x1xf32>
    %iota3A_61 = tpu.iota {dimensions = array<i32: 1>} : vector<1024x1024xi32>
    %add3A_62 = arith.constant 2048 : i32
    %add3A_63 = vector.broadcast %add3A_62 : i32 to vector<1024x1024xi32>
    %add3A_64 = arith.addi %iota3A_61, %add3A_63 : vector<1024x1024xi32>
    %convert_element_type3A_65 = arith.sitofp %add3A_64 : vector<1024x1024xi32> to vector<1024x1024xf32>
    %eq3A_66 = vector.broadcast %broadcast_in_dim3A_60 : vector<1024x1xf32> to vector<1024x1024xf32>
    %eq3A_67 = arith.cmpf oeq, %dot_general3A_57, %eq3A_66 : vector<1024x1024xf32>
    %jit3A_68 = arith.constant 0x7F800000 : f32
    %broadcast_in_dim3A_69 = vector.broadcast %jit3A_68 : f32 to vector<1024x1024xf32>
    %select_n3A_70 = arith.select %eq3A_67, %convert_element_type3A_65, %broadcast_in_dim3A_69 : vector<1024x1024xi1>, vector<1024x1024xf32>
    %reduce_min3A_71 = arith.constant dense<0x7F800000> : vector<1024xf32>
    %reduce_min3A_72 = vector.multi_reduction <minimumf>, %select_n3A_70, %reduce_min3A_71 [1] : vector<1024x1024xf32> to vector<1024xf32>
    %broadcast_in_dim3A_73 = vector.shape_cast %reduce_min3A_72 : vector<1024xf32> to vector<1024x1xf32>
    %eq3A_74 = vector.broadcast %broadcast_in_dim3A_73 : vector<1024x1xf32> to vector<1024x1024xf32>
    %eq3A_75 = arith.cmpf oeq, %convert_element_type3A_65, %eq3A_74 : vector<1024x1024xf32>
    %jit3A_76 = arith.constant 0xFF800000 : f32
    %broadcast_in_dim3A_77 = vector.broadcast %jit3A_76 : f32 to vector<1024x1024xf32>
    %select_n3A_78 = arith.select %eq3A_75, %broadcast_in_dim3A_77, %dot_general3A_57 : vector<1024x1024xi1>, vector<1024x1024xf32>
    %reduce_max3A_79 = arith.constant dense<0xFF800000> : vector<1024xf32>
    %reduce_max3A_80 = vector.multi_reduction <maximumf>, %select_n3A_78, %reduce_max3A_79 [1] : vector<1024x1024xf32> to vector<1024xf32>
    %broadcast_in_dim3A_81 = vector.shape_cast %reduce_max3A_80 : vector<1024xf32> to vector<1024x1xf32>
    %gt3A_82 = arith.cmpf ogt, %broadcast_in_dim3A_60, %select_n3A_51 : vector<1024x1xf32>
    %min3A_83 = arith.minimumf %broadcast_in_dim3A_60, %select_n3A_51 : vector<1024x1xf32>
    %max3A_84 = arith.maximumf %broadcast_in_dim3A_81, %max3A_50 : vector<1024x1xf32>
    %max3A_85 = arith.maximumf %min3A_83, %max3A_84 : vector<1024x1xf32>
    %select_n3A_86 = arith.select %gt3A_82, %broadcast_in_dim3A_60, %select_n3A_51 : vector<1024x1xi1>, vector<1024x1xf32>
    %select_n3A_87 = arith.select %gt3A_82, %broadcast_in_dim3A_73, %select_n3A_52 : vector<1024x1xi1>, vector<1024x1xf32>
    %get3A_88 = arith.constant 0 : index
    %get3A_89 = arith.constant 3072 : index
    %get3A_90 = vector.load %arg2[%get3A_88, %get3A_89] : memref<64x8192xf32, #tpu.memory_space<vmem>>, vector<64x1024xf32>
    %dot_general3A_91 = arith.constant dense<0.000000e+00> : vector<1024x1024xf32>
    %dot_general3A_92 = tpu.matmul %get3A_1, %get3A_90, %dot_general3A_91 {dimension_numbers = #tpu.dot_dimension_numbers<[1], [0], [0], [1], [0, 0, 1, 1], [], []>, transpose_lhs_hint = false} : vector<1024x64xf32>, vector<64x1024xf32>, vector<1024x1024xf32> -> vector<1024x1024xf32>
    %reduce_max3A_93 = arith.constant dense<0xFF800000> : vector<1024xf32>
    %reduce_max3A_94 = vector.multi_reduction <maximumf>, %dot_general3A_92, %reduce_max3A_93 [1] : vector<1024x1024xf32> to vector<1024xf32>
    %broadcast_in_dim3A_95 = vector.shape_cast %reduce_max3A_94 : vector<1024xf32> to vector<1024x1xf32>
    %iota3A_96 = tpu.iota {dimensions = array<i32: 1>} : vector<1024x1024xi32>
    %add3A_97 = arith.constant 3072 : i32
    %add3A_98 = vector.broadcast %add3A_97 : i32 to vector<1024x1024xi32>
    %add3A_99 = arith.addi %iota3A_96, %add3A_98 : vector<1024x1024xi32>
    %convert_element_type3A_100 = arith.sitofp %add3A_99 : vector<1024x1024xi32> to vector<1024x1024xf32>
    %eq3A_101 = vector.broadcast %broadcast_in_dim3A_95 : vector<1024x1xf32> to vector<1024x1024xf32>
    %eq3A_102 = arith.cmpf oeq, %dot_general3A_92, %eq3A_101 : vector<1024x1024xf32>
    %jit3A_103 = arith.constant 0x7F800000 : f32
    %broadcast_in_dim3A_104 = vector.broadcast %jit3A_103 : f32 to vector<1024x1024xf32>
    %select_n3A_105 = arith.select %eq3A_102, %convert_element_type3A_100, %broadcast_in_dim3A_104 : vector<1024x1024xi1>, vector<1024x1024xf32>
    %reduce_min3A_106 = arith.constant dense<0x7F800000> : vector<1024xf32>
    %reduce_min3A_107 = vector.multi_reduction <minimumf>, %select_n3A_105, %reduce_min3A_106 [1] : vector<1024x1024xf32> to vector<1024xf32>
    %broadcast_in_dim3A_108 = vector.shape_cast %reduce_min3A_107 : vector<1024xf32> to vector<1024x1xf32>
    %eq3A_109 = vector.broadcast %broadcast_in_dim3A_108 : vector<1024x1xf32> to vector<1024x1024xf32>
    %eq3A_110 = arith.cmpf oeq, %convert_element_type3A_100, %eq3A_109 : vector<1024x1024xf32>
    %jit3A_111 = arith.constant 0xFF800000 : f32
    %broadcast_in_dim3A_112 = vector.broadcast %jit3A_111 : f32 to vector<1024x1024xf32>
    %select_n3A_113 = arith.select %eq3A_110, %broadcast_in_dim3A_112, %dot_general3A_92 : vector<1024x1024xi1>, vector<1024x1024xf32>
    %reduce_max3A_114 = arith.constant dense<0xFF800000> : vector<1024xf32>
    %reduce_max3A_115 = vector.multi_reduction <maximumf>, %select_n3A_113, %reduce_max3A_114 [1] : vector<1024x1024xf32> to vector<1024xf32>
    %broadcast_in_dim3A_116 = vector.shape_cast %reduce_max3A_115 : vector<1024xf32> to vector<1024x1xf32>
    %gt3A_117 = arith.cmpf ogt, %broadcast_in_dim3A_95, %select_n3A_86 : vector<1024x1xf32>
    %min3A_118 = arith.minimumf %broadcast_in_dim3A_95, %select_n3A_86 : vector<1024x1xf32>
    %max3A_119 = arith.maximumf %broadcast_in_dim3A_116, %max3A_85 : vector<1024x1xf32>
    %max3A_120 = arith.maximumf %min3A_118, %max3A_119 : vector<1024x1xf32>
    %select_n3A_121 = arith.select %gt3A_117, %broadcast_in_dim3A_95, %select_n3A_86 : vector<1024x1xi1>, vector<1024x1xf32>
    %select_n3A_122 = arith.select %gt3A_117, %broadcast_in_dim3A_108, %select_n3A_87 : vector<1024x1xi1>, vector<1024x1xf32>
    %get3A_123 = arith.constant 0 : index
    %get3A_124 = arith.constant 4096 : index
    %get3A_125 = vector.load %arg2[%get3A_123, %get3A_124] : memref<64x8192xf32, #tpu.memory_space<vmem>>, vector<64x1024xf32>
    %dot_general3A_126 = arith.constant dense<0.000000e+00> : vector<1024x1024xf32>
    %dot_general3A_127 = tpu.matmul %get3A_1, %get3A_125, %dot_general3A_126 {dimension_numbers = #tpu.dot_dimension_numbers<[1], [0], [0], [1], [0, 0, 1, 1], [], []>, transpose_lhs_hint = false} : vector<1024x64xf32>, vector<64x1024xf32>, vector<1024x1024xf32> -> vector<1024x1024xf32>
    %reduce_max3A_128 = arith.constant dense<0xFF800000> : vector<1024xf32>
    %reduce_max3A_129 = vector.multi_reduction <maximumf>, %dot_general3A_127, %reduce_max3A_128 [1] : vector<1024x1024xf32> to vector<1024xf32>
    %broadcast_in_dim3A_130 = vector.shape_cast %reduce_max3A_129 : vector<1024xf32> to vector<1024x1xf32>
    %iota3A_131 = tpu.iota {dimensions = array<i32: 1>} : vector<1024x1024xi32>
    %add3A_132 = arith.constant 4096 : i32
    %add3A_133 = vector.broadcast %add3A_132 : i32 to vector<1024x1024xi32>
    %add3A_134 = arith.addi %iota3A_131, %add3A_133 : vector<1024x1024xi32>
    %convert_element_type3A_135 = arith.sitofp %add3A_134 : vector<1024x1024xi32> to vector<1024x1024xf32>
    %eq3A_136 = vector.broadcast %broadcast_in_dim3A_130 : vector<1024x1xf32> to vector<1024x1024xf32>
    %eq3A_137 = arith.cmpf oeq, %dot_general3A_127, %eq3A_136 : vector<1024x1024xf32>
    %jit3A_138 = arith.constant 0x7F800000 : f32
    %broadcast_in_dim3A_139 = vector.broadcast %jit3A_138 : f32 to vector<1024x1024xf32>
    %select_n3A_140 = arith.select %eq3A_137, %convert_element_type3A_135, %broadcast_in_dim3A_139 : vector<1024x1024xi1>, vector<1024x1024xf32>
    %reduce_min3A_141 = arith.constant dense<0x7F800000> : vector<1024xf32>
    %reduce_min3A_142 = vector.multi_reduction <minimumf>, %select_n3A_140, %reduce_min3A_141 [1] : vector<1024x1024xf32> to vector<1024xf32>
    %broadcast_in_dim3A_143 = vector.shape_cast %reduce_min3A_142 : vector<1024xf32> to vector<1024x1xf32>
    %eq3A_144 = vector.broadcast %broadcast_in_dim3A_143 : vector<1024x1xf32> to vector<1024x1024xf32>
    %eq3A_145 = arith.cmpf oeq, %convert_element_type3A_135, %eq3A_144 : vector<1024x1024xf32>
    %jit3A_146 = arith.constant 0xFF800000 : f32
    %broadcast_in_dim3A_147 = vector.broadcast %jit3A_146 : f32 to vector<1024x1024xf32>
    %select_n3A_148 = arith.select %eq3A_145, %broadcast_in_dim3A_147, %dot_general3A_127 : vector<1024x1024xi1>, vector<1024x1024xf32>
    %reduce_max3A_149 = arith.constant dense<0xFF800000> : vector<1024xf32>
    %reduce_max3A_150 = vector.multi_reduction <maximumf>, %select_n3A_148, %reduce_max3A_149 [1] : vector<1024x1024xf32> to vector<1024xf32>
    %broadcast_in_dim3A_151 = vector.shape_cast %reduce_max3A_150 : vector<1024xf32> to vector<1024x1xf32>
    %gt3A_152 = arith.cmpf ogt, %broadcast_in_dim3A_130, %select_n3A_121 : vector<1024x1xf32>
    %min3A_153 = arith.minimumf %broadcast_in_dim3A_130, %select_n3A_121 : vector<1024x1xf32>
    %max3A_154 = arith.maximumf %broadcast_in_dim3A_151, %max3A_120 : vector<1024x1xf32>
    %max3A_155 = arith.maximumf %min3A_153, %max3A_154 : vector<1024x1xf32>
    %select_n3A_156 = arith.select %gt3A_152, %broadcast_in_dim3A_130, %select_n3A_121 : vector<1024x1xi1>, vector<1024x1xf32>
    %select_n3A_157 = arith.select %gt3A_152, %broadcast_in_dim3A_143, %select_n3A_122 : vector<1024x1xi1>, vector<1024x1xf32>
    %get3A_158 = arith.constant 0 : index
    %get3A_159 = arith.constant 5120 : index
    %get3A_160 = vector.load %arg2[%get3A_158, %get3A_159] : memref<64x8192xf32, #tpu.memory_space<vmem>>, vector<64x1024xf32>
    %dot_general3A_161 = arith.constant dense<0.000000e+00> : vector<1024x1024xf32>
    %dot_general3A_162 = tpu.matmul %get3A_1, %get3A_160, %dot_general3A_161 {dimension_numbers = #tpu.dot_dimension_numbers<[1], [0], [0], [1], [0, 0, 1, 1], [], []>, transpose_lhs_hint = false} : vector<1024x64xf32>, vector<64x1024xf32>, vector<1024x1024xf32> -> vector<1024x1024xf32>
    %reduce_max3A_163 = arith.constant dense<0xFF800000> : vector<1024xf32>
    %reduce_max3A_164 = vector.multi_reduction <maximumf>, %dot_general3A_162, %reduce_max3A_163 [1] : vector<1024x1024xf32> to vector<1024xf32>
    %broadcast_in_dim3A_165 = vector.shape_cast %reduce_max3A_164 : vector<1024xf32> to vector<1024x1xf32>
    %iota3A_166 = tpu.iota {dimensions = array<i32: 1>} : vector<1024x1024xi32>
    %add3A_167 = arith.constant 5120 : i32
    %add3A_168 = vector.broadcast %add3A_167 : i32 to vector<1024x1024xi32>
    %add3A_169 = arith.addi %iota3A_166, %add3A_168 : vector<1024x1024xi32>
    %convert_element_type3A_170 = arith.sitofp %add3A_169 : vector<1024x1024xi32> to vector<1024x1024xf32>
    %eq3A_171 = vector.broadcast %broadcast_in_dim3A_165 : vector<1024x1xf32> to vector<1024x1024xf32>
    %eq3A_172 = arith.cmpf oeq, %dot_general3A_162, %eq3A_171 : vector<1024x1024xf32>
    %jit3A_173 = arith.constant 0x7F800000 : f32
    %broadcast_in_dim3A_174 = vector.broadcast %jit3A_173 : f32 to vector<1024x1024xf32>
    %select_n3A_175 = arith.select %eq3A_172, %convert_element_type3A_170, %broadcast_in_dim3A_174 : vector<1024x1024xi1>, vector<1024x1024xf32>
    %reduce_min3A_176 = arith.constant dense<0x7F800000> : vector<1024xf32>
    %reduce_min3A_177 = vector.multi_reduction <minimumf>, %select_n3A_175, %reduce_min3A_176 [1] : vector<1024x1024xf32> to vector<1024xf32>
    %broadcast_in_dim3A_178 = vector.shape_cast %reduce_min3A_177 : vector<1024xf32> to vector<1024x1xf32>
    %eq3A_179 = vector.broadcast %broadcast_in_dim3A_178 : vector<1024x1xf32> to vector<1024x1024xf32>
    %eq3A_180 = arith.cmpf oeq, %convert_element_type3A_170, %eq3A_179 : vector<1024x1024xf32>
    %jit3A_181 = arith.constant 0xFF800000 : f32
    %broadcast_in_dim3A_182 = vector.broadcast %jit3A_181 : f32 to vector<1024x1024xf32>
    %select_n3A_183 = arith.select %eq3A_180, %broadcast_in_dim3A_182, %dot_general3A_162 : vector<1024x1024xi1>, vector<1024x1024xf32>
    %reduce_max3A_184 = arith.constant dense<0xFF800000> : vector<1024xf32>
    %reduce_max3A_185 = vector.multi_reduction <maximumf>, %select_n3A_183, %reduce_max3A_184 [1] : vector<1024x1024xf32> to vector<1024xf32>
    %broadcast_in_dim3A_186 = vector.shape_cast %reduce_max3A_185 : vector<1024xf32> to vector<1024x1xf32>
    %gt3A_187 = arith.cmpf ogt, %broadcast_in_dim3A_165, %select_n3A_156 : vector<1024x1xf32>
    %min3A_188 = arith.minimumf %broadcast_in_dim3A_165, %select_n3A_156 : vector<1024x1xf32>
    %max3A_189 = arith.maximumf %broadcast_in_dim3A_186, %max3A_155 : vector<1024x1xf32>
    %max3A_190 = arith.maximumf %min3A_188, %max3A_189 : vector<1024x1xf32>
    %select_n3A_191 = arith.select %gt3A_187, %broadcast_in_dim3A_165, %select_n3A_156 : vector<1024x1xi1>, vector<1024x1xf32>
    %select_n3A_192 = arith.select %gt3A_187, %broadcast_in_dim3A_178, %select_n3A_157 : vector<1024x1xi1>, vector<1024x1xf32>
    %get3A_193 = arith.constant 0 : index
    %get3A_194 = arith.constant 6144 : index
    %get3A_195 = vector.load %arg2[%get3A_193, %get3A_194] : memref<64x8192xf32, #tpu.memory_space<vmem>>, vector<64x1024xf32>
    %dot_general3A_196 = arith.constant dense<0.000000e+00> : vector<1024x1024xf32>
    %dot_general3A_197 = tpu.matmul %get3A_1, %get3A_195, %dot_general3A_196 {dimension_numbers = #tpu.dot_dimension_numbers<[1], [0], [0], [1], [0, 0, 1, 1], [], []>, transpose_lhs_hint = false} : vector<1024x64xf32>, vector<64x1024xf32>, vector<1024x1024xf32> -> vector<1024x1024xf32>
    %reduce_max3A_198 = arith.constant dense<0xFF800000> : vector<1024xf32>
    %reduce_max3A_199 = vector.multi_reduction <maximumf>, %dot_general3A_197, %reduce_max3A_198 [1] : vector<1024x1024xf32> to vector<1024xf32>
    %broadcast_in_dim3A_200 = vector.shape_cast %reduce_max3A_199 : vector<1024xf32> to vector<1024x1xf32>
    %iota3A_201 = tpu.iota {dimensions = array<i32: 1>} : vector<1024x1024xi32>
    %add3A_202 = arith.constant 6144 : i32
    %add3A_203 = vector.broadcast %add3A_202 : i32 to vector<1024x1024xi32>
    %add3A_204 = arith.addi %iota3A_201, %add3A_203 : vector<1024x1024xi32>
    %convert_element_type3A_205 = arith.sitofp %add3A_204 : vector<1024x1024xi32> to vector<1024x1024xf32>
    %eq3A_206 = vector.broadcast %broadcast_in_dim3A_200 : vector<1024x1xf32> to vector<1024x1024xf32>
    %eq3A_207 = arith.cmpf oeq, %dot_general3A_197, %eq3A_206 : vector<1024x1024xf32>
    %jit3A_208 = arith.constant 0x7F800000 : f32
    %broadcast_in_dim3A_209 = vector.broadcast %jit3A_208 : f32 to vector<1024x1024xf32>
    %select_n3A_210 = arith.select %eq3A_207, %convert_element_type3A_205, %broadcast_in_dim3A_209 : vector<1024x1024xi1>, vector<1024x1024xf32>
    %reduce_min3A_211 = arith.constant dense<0x7F800000> : vector<1024xf32>
    %reduce_min3A_212 = vector.multi_reduction <minimumf>, %select_n3A_210, %reduce_min3A_211 [1] : vector<1024x1024xf32> to vector<1024xf32>
    %broadcast_in_dim3A_213 = vector.shape_cast %reduce_min3A_212 : vector<1024xf32> to vector<1024x1xf32>
    %eq3A_214 = vector.broadcast %broadcast_in_dim3A_213 : vector<1024x1xf32> to vector<1024x1024xf32>
    %eq3A_215 = arith.cmpf oeq, %convert_element_type3A_205, %eq3A_214 : vector<1024x1024xf32>
    %jit3A_216 = arith.constant 0xFF800000 : f32
    %broadcast_in_dim3A_217 = vector.broadcast %jit3A_216 : f32 to vector<1024x1024xf32>
    %select_n3A_218 = arith.select %eq3A_215, %broadcast_in_dim3A_217, %dot_general3A_197 : vector<1024x1024xi1>, vector<1024x1024xf32>
    %reduce_max3A_219 = arith.constant dense<0xFF800000> : vector<1024xf32>
    %reduce_max3A_220 = vector.multi_reduction <maximumf>, %select_n3A_218, %reduce_max3A_219 [1] : vector<1024x1024xf32> to vector<1024xf32>
    %broadcast_in_dim3A_221 = vector.shape_cast %reduce_max3A_220 : vector<1024xf32> to vector<1024x1xf32>
    %gt3A_222 = arith.cmpf ogt, %broadcast_in_dim3A_200, %select_n3A_191 : vector<1024x1xf32>
    %min3A_223 = arith.minimumf %broadcast_in_dim3A_200, %select_n3A_191 : vector<1024x1xf32>
    %max3A_224 = arith.maximumf %broadcast_in_dim3A_221, %max3A_190 : vector<1024x1xf32>
    %max3A_225 = arith.maximumf %min3A_223, %max3A_224 : vector<1024x1xf32>
    %select_n3A_226 = arith.select %gt3A_222, %broadcast_in_dim3A_200, %select_n3A_191 : vector<1024x1xi1>, vector<1024x1xf32>
    %select_n3A_227 = arith.select %gt3A_222, %broadcast_in_dim3A_213, %select_n3A_192 : vector<1024x1xi1>, vector<1024x1xf32>
    %get3A_228 = arith.constant 0 : index
    %get3A_229 = arith.constant 7168 : index
    %get3A_230 = vector.load %arg2[%get3A_228, %get3A_229] : memref<64x8192xf32, #tpu.memory_space<vmem>>, vector<64x1024xf32>
    %dot_general3A_231 = arith.constant dense<0.000000e+00> : vector<1024x1024xf32>
    %dot_general3A_232 = tpu.matmul %get3A_1, %get3A_230, %dot_general3A_231 {dimension_numbers = #tpu.dot_dimension_numbers<[1], [0], [0], [1], [0, 0, 1, 1], [], []>, transpose_lhs_hint = false} : vector<1024x64xf32>, vector<64x1024xf32>, vector<1024x1024xf32> -> vector<1024x1024xf32>
    %reduce_max3A_233 = arith.constant dense<0xFF800000> : vector<1024xf32>
    %reduce_max3A_234 = vector.multi_reduction <maximumf>, %dot_general3A_232, %reduce_max3A_233 [1] : vector<1024x1024xf32> to vector<1024xf32>
    %broadcast_in_dim3A_235 = vector.shape_cast %reduce_max3A_234 : vector<1024xf32> to vector<1024x1xf32>
    %iota3A_236 = tpu.iota {dimensions = array<i32: 1>} : vector<1024x1024xi32>
    %add3A_237 = arith.constant 7168 : i32
    %add3A_238 = vector.broadcast %add3A_237 : i32 to vector<1024x1024xi32>
    %add3A_239 = arith.addi %iota3A_236, %add3A_238 : vector<1024x1024xi32>
    %convert_element_type3A_240 = arith.sitofp %add3A_239 : vector<1024x1024xi32> to vector<1024x1024xf32>
    %eq3A_241 = vector.broadcast %broadcast_in_dim3A_235 : vector<1024x1xf32> to vector<1024x1024xf32>
    %eq3A_242 = arith.cmpf oeq, %dot_general3A_232, %eq3A_241 : vector<1024x1024xf32>
    %jit3A_243 = arith.constant 0x7F800000 : f32
    %broadcast_in_dim3A_244 = vector.broadcast %jit3A_243 : f32 to vector<1024x1024xf32>
    %select_n3A_245 = arith.select %eq3A_242, %convert_element_type3A_240, %broadcast_in_dim3A_244 : vector<1024x1024xi1>, vector<1024x1024xf32>
    %reduce_min3A_246 = arith.constant dense<0x7F800000> : vector<1024xf32>
    %reduce_min3A_247 = vector.multi_reduction <minimumf>, %select_n3A_245, %reduce_min3A_246 [1] : vector<1024x1024xf32> to vector<1024xf32>
    %broadcast_in_dim3A_248 = vector.shape_cast %reduce_min3A_247 : vector<1024xf32> to vector<1024x1xf32>
    %eq3A_249 = vector.broadcast %broadcast_in_dim3A_248 : vector<1024x1xf32> to vector<1024x1024xf32>
    %eq3A_250 = arith.cmpf oeq, %convert_element_type3A_240, %eq3A_249 : vector<1024x1024xf32>
    %jit3A_251 = arith.constant 0xFF800000 : f32
    %broadcast_in_dim3A_252 = vector.broadcast %jit3A_251 : f32 to vector<1024x1024xf32>
    %select_n3A_253 = arith.select %eq3A_250, %broadcast_in_dim3A_252, %dot_general3A_232 : vector<1024x1024xi1>, vector<1024x1024xf32>
    %reduce_max3A_254 = arith.constant dense<0xFF800000> : vector<1024xf32>
    %reduce_max3A_255 = vector.multi_reduction <maximumf>, %select_n3A_253, %reduce_max3A_254 [1] : vector<1024x1024xf32> to vector<1024xf32>
    %broadcast_in_dim3A_256 = vector.shape_cast %reduce_max3A_255 : vector<1024xf32> to vector<1024x1xf32>
    %gt3A_257 = arith.cmpf ogt, %broadcast_in_dim3A_235, %select_n3A_226 : vector<1024x1xf32>
    %min3A_258 = arith.minimumf %broadcast_in_dim3A_235, %select_n3A_226 : vector<1024x1xf32>
    %max3A_259 = arith.maximumf %broadcast_in_dim3A_256, %max3A_225 : vector<1024x1xf32>
    %max3A_260 = arith.maximumf %min3A_258, %max3A_259 : vector<1024x1xf32>
    %select_n3A_261 = arith.select %gt3A_257, %broadcast_in_dim3A_235, %select_n3A_226 : vector<1024x1xi1>, vector<1024x1xf32>
    %select_n3A_262 = arith.select %gt3A_257, %broadcast_in_dim3A_248, %select_n3A_227 : vector<1024x1xi1>, vector<1024x1xf32>
    %convert_element_type3A_263 = arith.fptosi %select_n3A_262 : vector<1024x1xf32> to vector<1024x1xi32>
    %swap3A = arith.constant 0 : index
    %swap3A_264 = arith.constant 0 : index
    %swap3A_265 = vector.load %arg3[%swap3A, %swap3A_264] : memref<1024x1xi32, #tpu.memory_space<vmem>>, vector<1024x1xi32>
    tpu.vector_store %arg3[%swap3A, %swap3A_264], %convert_element_type3A_263 {strides = array<i32>} : memref<1024x1xi32, #tpu.memory_space<vmem>>, vector<1024x1xi32>,
    %sub3A = arith.subf %select_n3A_261, %max3A_260 : vector<1024x1xf32>
    %swap3A_266 = arith.constant 0 : index
    %swap3A_267 = arith.constant 0 : index
    %swap3A_268 = vector.load %arg4[%swap3A_266, %swap3A_267] : memref<1024x1xf32, #tpu.memory_space<vmem>>, vector<1024x1xf32>
    tpu.vector_store %arg4[%swap3A_266, %swap3A_267], %sub3A {strides = array<i32>} : memref<1024x1xf32, #tpu.memory_space<vmem>>, vector<1024x1xf32>,
    return
  }
  func.func @transform_0(%arg0: i32) -> (i32, i32) {
    %c0_i32 = arith.constant 0 : i32
    %c0_i32_0 = arith.constant 0 : i32
    return %arg0, %c0_i32 : i32, i32
  }
  func.func @transform_1(%arg0: i32) -> (i32, i32) {
    %c0_i32 = arith.constant 0 : i32
    %c0_i32_0 = arith.constant 0 : i32
    %c0_i32_1 = arith.constant 0 : i32
    return %c0_i32, %c0_i32_0 : i32, i32
  }
  func.func @transform_2(%arg0: i32) -> (i32, i32) {
    %c0_i32 = arith.constant 0 : i32
    %c0_i32_0 = arith.constant 0 : i32
    return %arg0, %c0_i32 : i32, i32
  }
  func.func @transform_3(%arg0: i32) -> (i32, i32) {
    %c0_i32 = arith.constant 0 : i32
    %c0_i32_0 = arith.constant 0 : i32
    return %arg0, %c0_i32 : i32, i32
  }
}

</mosaic_0001>

<sc_bundles>
// kernel: kernel.4.cloned.1.call-start
scs
__scs_entry_jumppad:
0x0: {  	(pc) =	sbr.rel $0x88, $3  }
0x1: {  	(tag) =	ssettag $0x0;
	lr =	simm.s32 $0x1  }
0x2: {  	[smem:$0x3F9F] =	sst lr;
	_ =	strace $0xD0000000  }
0x3: {  	_ = 	snop  }
0x4: {  	_ = 	snop  }
0x5: {  	_ = 	snop  }
0x6: {  	_ = 	snop  }
0x7: {  	_ = 	snop  }
__scs_overlays_trampoline_lowered:
0x8: {  	[smem:$0x3FAE] =	sst s0  }
0x9: {  	[smem:$0x3FAF] =	sst s1  }
0xa: {  	[smem:$0x3FB0] =	sst s2  }
0xb: {  	[smem:$0x3FB1] =	sst s3  }
0xc: {  	[smem:$0x3FB2] =	sst s4  }
0xd: {  	[smem:$0x3FB3] =	sst s5  }
0xe: {  	[smem:$0x3FB4] =	sst s6  }
0xf: {  	[smem:$0x3FB5] =	sst s7  }
0x10: {  	[smem:$0x3FB6] =	sst s8  }
0x11: {  	[smem:$0x3FB7] =	sst s9;
	s0 =	simm.s32 @!p0 $0x0  }
0x12: {  	s1 =	sld [smem:$0x3F9D];
	s0 =	simm.s32 @p0 $0x1  }
0x13: {  	[smem:$0x3FB8] =	sst s0;
	s0 =	simm.s32 @!p1 $0x0  }
0x14: {  	s2 =	sld [smem:$0x3F9C];
	s0 =	simm.s32 @p1 $0x1  }
0x15: {  	[smem:$0x3FB9] =	sst s0;
	s0 =	simm.s32 @!p2 $0x0  }
0x16: {  	s3 =	sld [smem:$0x3FDB];
	s0 =	simm.s32 @p2 $0x1  }
0x17: {  	s4 =	simm.s32 $0x1BF5;
	[smem:$0x3FBB] =	sst s0  }
0x18: {  	s0 =	sld [smem:$0x3F9E];
	_ =	swait.ge [sflag:s4], $0x0  }
0x19: {  	s7 =	sld [smem:$0x3F9F]  }
0x1a: {  	s8 =	sadd.s32 $0xFFFFE003, lr  }
0x1b: {  	s9 =	sadd.s32 $0xFFFFFEF7, lr;
	s5 =	simm.s32 $0xFFFFFFFF;
	p2 =	slt.u32 s8, $0xFFFFF086  }
0x1c: {  	p1 =	slt.u32 s9, $0xF7A;
	s5 =	simm.s32 @!p2 $0x0  }
0x1d: {  	s5 =	simm.s32 @p1 $0x1;
	p0 =	seq.s32 s7, s2  }
0x1e: {  	s7 =	smul.u32 @!p0 $0xF7A, s2;
	p2 =	seq.s32 @!p0 s5, $0x0  }
0x1f: {  	s9 =	smul.u32 $0xF7A, s1;
	s8 =	simm.s32 @!p0 $0x1BF5;
	p2 =	por !p2, p0  }
0x20: {  	[sflag:s8] =	ssyncset.s32 @!p0 $0xFFFFF086;
	s6 =	sadd.s32 @!p0 s3, s7;
	s7 =	simm.s32 @!p0 $0x108  }
0x21: {  	s3 =	sadd.s32 s3, s9;
	s6 =	sadd.s32 @!p0 $0x88, s6;
	s7 =	simm.s32 @p2 $0x1082  }
0x22: {  	[simem:s7], [sflag:s8] =	dma.local @!p0 [hbm:s6], $0xF7A  }
0x23: {  	s9 =	sor.u32 $0xD0000000, s2;
	s6 =	simm.s32 $0x108;
	_ =	swait.ge @!p0 [sflag:s8], $0x0  }
0x24: {  	s3 =	sadd.s32 $0x88, s3;
	s6 =	simm.s32 @!p1 $0x1082;
	[sflag:s4] =	ssyncset.s32 $0xFFFFF086  }
0x25: {  	[simem:s6], [sflag:s4] =	dma.local [hbm:s3], $0xF7A  }
0x26: {  	[smem:$0x3F9F] =	sst s1;
	(tag) =	ssettag s2;
	_ =	strace s9  }
0x27: {  	s1 =	sld [smem:$0x3FAF]  }
0x28: {  	s2 =	sld [smem:$0x3FB0]  }
0x29: {  	s4 =	sld [smem:$0x3FB2]  }
0x2a: {  	p0 =	seq.s32 s5, $0x0;
	s5 =	sld [smem:$0x3FB3]  }
0x2b: {  	s6 =	sld [smem:$0x3FB4]  }
0x2c: {  	s7 =	sld [smem:$0x3FB5]  }
0x2d: {  	s3 =	simm.s32 $0x108;
	s8 =	sld [smem:$0x3FB6]  }
0x2e: {  	s3 =	simm.s32 @!p0 $0x1082;
	s9 =	sld [smem:$0x3FB7]  }
0x2f: {  	lr =	sadd.s32 s0, s3;
	s0 =	sld [smem:$0x3FAE]  }
0x30: {  	s3 =	sld [smem:$0x3FB1]  }
0x31: {  	[smem:$0x3FBA] =	sst s10  }
0x32: {  	s10 =	sld [smem:$0x3FB8];
	_ =	sdelay $0x3  }
0x33: {  	p0 =	seq.s32 s10, $0x1;
	s10 =	sld [smem:$0x3FBA];
	_ =	sdelay $0x3  }
0x34: {  	[smem:$0x3FBA] =	sst s10  }
0x35: {  	s10 =	sld [smem:$0x3FB9];
	_ =	sdelay $0x3  }
0x36: {  	p1 =	seq.s32 s10, $0x1;
	s10 =	sld [smem:$0x3FBA];
	_ =	sdelay $0x3  }
0x37: {  	[smem:$0x3FBA] =	sst s10  }
0x38: {  	s10 =	sld [smem:$0x3FBB]  }
0x39: {  	_ = 	snop;
	(pc) =	sbr.ind lr, $3  }
0x3a: {  	_ = 	snop  }
0x3b: {  	_ = 	snop  }
0x3c: {  	p2 =	seq.s32 s10, $0x1;
	s10 =	sld [smem:$0x3FBA]  }
0x3d: {  	_ =	shalt  }
0x3e: {  	_ =	shalt  }
0x3f: {  	_ =	shalt  }
0x40: {  	_ =	shalt  }
0x41: {  	_ =	shalt  }
0x42: {  	_ =	shalt  }
0x43: {  	_ =	shalt  }
0x44: {  	_ =	shalt  }
0x45: {  	_ =	shalt  }
0x46: {  	_ =	shalt  }
0x47: {  	_ =	shalt  }
0x48: {  	_ =	shalt  }
0x49: {  	_ =	shalt  }
0x4a: {  	_ =	shalt  }
0x4b: {  	_ =	shalt  }
0x4c: {  	_ =	shalt  }
0x4d: {  	_ =	shalt  }
0x4e: {  	_ =	shalt  }
0x4f: {  	_ =	shalt  }
0x50: {  	_ =	shalt  }
0x51: {  	_ =	shalt  }
0x52: {  	_ =	shalt  }
0x53: {  	_ =	shalt  }
0x54: {  	_ =	shalt  }
0x55: {  	_ =	shalt  }
0x56: {  	_ =	shalt  }
0x57: {  	_ =	shalt  }
0x58: {  	_ =	shalt  }
0x59: {  	_ =	shalt  }
0x5a: {  	_ =	shalt  }
0x5b: {  	_ =	shalt  }
0x5c: {  	_ =	shalt  }
0x5d: {  	_ =	shalt  }
0x5e: {  	_ =	shalt  }
0x5f: {  	_ =	shalt  }
0x60: {  	_ =	shalt  }
0x61: {  	_ =	shalt  }
0x62: {  	_ =	shalt  }
0x63: {  	_ =	shalt  }
0x64: {  	_ =	shalt  }
0x65: {  	_ =	shalt  }
0x66: {  	_ =	shalt  }
0x67: {  	_ =	shalt  }
0x68: {  	_ =	shalt  }
0x69: {  	_ =	shalt  }
0x6a: {  	_ =	shalt  }
0x6b: {  	_ =	shalt  }
0x6c: {  	_ =	shalt  }
0x6d: {  	_ =	shalt  }
0x6e: {  	_ =	shalt  }
0x6f: {  	_ =	shalt  }
0x70: {  	_ =	shalt  }
0x71: {  	_ =	shalt  }
0x72: {  	_ =	shalt  }
0x73: {  	_ =	shalt  }
0x74: {  	_ =	shalt  }
0x75: {  	_ =	shalt  }
0x76: {  	_ =	shalt  }
0x77: {  	_ =	shalt  }
0x78: {  	_ =	shalt  }
0x79: {  	_ =	shalt  }
0x7a: {  	_ =	shalt  }
0x7b: {  	_ =	shalt  }
0x7c: {  	_ =	shalt  }
0x7d: {  	_ =	shalt  }
0x7e: {  	_ =	shalt  }
0x7f: {  	_ =	shalt  }
0x80: {  	_ =	shalt  }
0x81: {  	_ =	shalt  }
0x82: {  	_ =	shalt  }
0x83: {  	_ =	shalt  }
0x84: {  	_ =	shalt  }
0x85: {  	_ =	shalt  }
0x86: {  	_ =	shalt  }
0x87: {  	_ =	shalt  }
.Lfunc_end0:
.L_simem_size_0:
called_computation.1_lowered:
.L_overlay_start_0:
0x88: {  	s2 =	sld [smem:$0x3FD9]  }
0x89: {  	s3 =	sld [smem:$0x3FFE];
	_ =	sdelay $0x1  }
0x8a: {  	s1 =	srdreg.scid  }
0x8b: {  	s0 =	sand.u32 $0x1, s1  }
0x8c: {  	s14 =	sshll.u32 s0, $0xA;
	s2 =	sadd.s32 s3, s2  }
0x8d: {  	s2 =	sadd.s32 s2, s14  }
0x8e: {  	[smem:$0x3FC6] =	sst s2  }
0x8f: {  	_ = 	snop  }
0x90: {  	s2 =	sld [smem:$0x3FD0];
	_ =	sdelay $0x2  }
0x91: {  	s15 =	simm.s32 $0xA;
	s4 =	simm.s32 $0x10  }
0x92: {  	[smem:s4], [sflag:s15] =	dma.local [hbm:s2], $0x1  }
0x93: {  	_ =	swait.eq [sflag:s15], $0x1  }
0x94: {  	[sflag:s15] =	ssyncset.done $0x0  }
0x95: {  	[sflag:s15] =	ssyncadd.s32 $0xFFFFFFFF  }
0x96: {  	s16 =	sld [smem:$0x11];
	(tm) =	ssettm $0x1  }
0x97: {  	s17 =	sld [smem:$0x3FFB];
	_ =	sdelay $0x3  }
0x98: {  	_ =	strace s17  }
0x99: {  	s3 =	sld [smem:$0x3FFC];
	_ =	sdelay $0x3  }
0x9a: {  	_ =	strace s3  }
0x9b: {  	s3 =	sld [smem:$0x3FFD];
	_ =	sdelay $0x3  }
0x9c: {  	_ =	strace s3  }
0x9d: {  	_ =	strace $0x8FFFFFFF  }
0x9e: {  	s18 =	sld [smem:$0x3FDB];
	_ =	sdelay $0x1  }
0x9f: {  	s19 =	simm.s32 $_scs_section_size  }
0xa0: {  	s5 =	simm.s32 $_size__tile_overlayer_lowered;
	s6 =	simm.s32 $_tile_overlayer_lowered  }
0xa1: {  	s22 =	simm.s32 $0x1BFF;
	s21 =	sshll.u32 s6, $0x1;
	s3 =	sadd.s32 s19, s18  }
0xa2: {  	s7 =	simm.s32 $0x0;
	s20 =	sshll.u32 s5, $0x1;
	s5 =	sadd.s32 s21, s3  }
0xa3: {  	[timem:s7], [sflag:s22] =	dma.local [hbm:s5], s20  }
0xa4: {  	_ =	swait.ge [sflag:s22], s20  }
0xa5: {  	s4 =	ssub.s32 $0x0, s20;
	[sflag:s22] =	ssyncset.done $0x0  }
0xa6: {  	[sflag:s22] =	ssyncadd.s32 s4;
	_ =	sdelay $0x1  }
0xa7: {  	s23 =	simm.s32 $0x1B8B  }
0xa8: {  	_ =	swait.ge [sflag:s23], $0x1  }
0xa9: {  	[sflag:s23] =	ssyncset.done $0x0  }
0xaa: {  	s25 =	simm.s32 $0x1B8E;
	s24 =	sld [smem:$0x3FFE];
	[sflag:s23] =	ssyncadd.s32 $0xFFFFFFFF  }
0xab: {  	s26 =	simm.s32 $execute0_lowered;
	[smem:$0x3FD2] =	sst s25  }
0xac: {  	s5 =	sshll.u32 s26, $0x1;
	_ =	strace $0x80000049;
	[dreg:$0x1] =	wrdreg $0xFFFFFFFF  }
0xad: {  	s28 =	simm.s32 $_size_execute0_lowered;
	s3 =	sadd.s32 s3, s5;
	[dreg:$0x0] =	wrdreg $0x0  }
0xae: {  	s5 =	sshll.u32 s28, $0x1;
	[dreg:$0x2] =	wrdreg s3  }
0xaf: {  	[dreg:$0x3] =	wrdreg s5  }
0xb0: {  	[dreg:$0x4] =	wrdreg $0xC0  }
0xb1: {  	_ =	task [dreg:s7], $0x5FFFF  }
0xb2: {  	[dreg:$0x1] =	wrdreg $0xFFFFFFFF  }
0xb3: {  	[dreg:$0x0] =	wrdreg $0x60  }
0xb4: {  	[dreg:$0x2] =	wrdreg s16  }
0xb5: {  	[dreg:$0x3] =	wrdreg s24  }
0xb6: {  	[dreg:$0x4] =	wrdreg $0x9  }
0xb7: {  	_ =	task.clear_ibuf [dreg:s7], $0x5FFFF;
	_ =	strace $0x90000049  }
0xb8: {  	s29 =	simm.s32 $0x9;
	_ =	strace $0x8000004B  }
0xb9: {  	_ =	swait.ge [sflag:s29], $0x1  }
0xba: {  	[sflag:s29] =	ssyncadd.s32 $0xFFFFFFFF  }
0xbb: {  	_ =	strace $0x9000004B  }
0xbc: {  	_ =	sfence  }
0xbd: {  	s30 =	sld [smem:$0x0];
	_ =	sdelay $0x2  }
0xbe: {  	s31 =	sshll.u32 s1, $0xD;
	s1 =	sshrl.u32 s1, $0x2  }
0xbf: {  	s3 =	sand.u32 $0x4000, s31;
	s1 =	sadd.s32 s1, s30  }
0xc0: {  	s0 =	sor.u32 s3, s0;
	s1 =	sshll.u32 s1, $0x11  }
0xc1: {  	s0 =	sor.u32 s1, s0  }
0xc2: {  	s0 =	sadd.s32 $0x8F2B, s0  }
0xc3: {  	[sflag:s0] =	ssyncadd.remote.s32 $0x1  }
0xc4: {  	_ =	sfence.sel $0xFFFF  }
0xc5: {  	[dreg:$0x0] =	wrdreg $0xFFFFFFFF;
	(pc) =	sbr.abs _section_cstart, $3  }
0xc6: {  	[dreg:$0x1] =	wrdreg $0xFFFFFFFF  }
0xc7: {  	_ =	task.clear_ibuf [dreg:s7], $0x2FFFF;
	_ =	strace $0x9FFFFFFF  }
0xc8: {  	(tm) =	ssettm $0x7FFFFFFF  }
0xc9: {  	_ =	shalt  }
tec
execute0_lowered:
.L_overlay_start_1:
0x0: {  	(tag) =	ssettag $0x1  }
0x1: {  	s2 =	rddreg [dreg:$0x0]  }
0x2: {  	s1 =	srdreg.scid;
	s0 =	stileid.u32  }
0x3: {  	s10 =	rddreg [dreg:$0x1];
	s25 =	sand.u32 $0x1, s1;
	s4 =	sshll.u32 s0, $0x1  }
0x4: {  	s3 =	simm.s32 $0x0;
	s1 =	rddreg [dreg:$0x2];
	s11 =	sor.u32 s25, s4  }
0x5: {  	[smem:$0x7FF] =	sst s3;
	s4 =	sshll.u32 s11, $0x8  }
0x6: {  	_ =	strace $0x8000004A;
	s5 =	sadd.s32 s10, s4;
	s4 =	simm.s32 $0x2  }
0x7: {  	[tilespmem:s3], [sflag:$0x2] =	stream.linear.gather [hbm4b:s5+s3], $0x480, $0x38;
	[tilespmem:$0x8800] =	vst v63  }
0x8: {  	_ =	swait.ge [sflag:s4], $0x480  }
0x9: {  	[sflag:s4] =	ssyncset.done $0x0  }
0xa: {  	s6 =	simm.s32 $0x80;
	s7 =	simm.s32 $0x800;
	[sflag:s4] =	ssyncadd.s32 $0xFFFFFB80  }
0xb: {  	[tilespmem:s7], [sflag:$0x1] =	stream.indirect.gather [hbm4b:s2+s6], $0x80, s3, s6, $0xb8;
	[tilespmem:$0x8800] =	vst v63  }
0xc: {  	s8 =	simm.s32 $0x4800;
	s9 =	simm.s32 $0x1  }
0xd: {  	[tilespmem:s8], [sflag:$0x1] =	stream.indirect.gather [hbm4b:s2+s6], $0x80, s6, s6, $0xb8;
	[tilespmem:$0x8800] =	vst v63  }
0xe: {  	s12 =	smul.u32 $0x4800, s11;
	_ =	swait.ge [sflag:s9], $0x4000  }
0xf: {  	s13 =	sadd.s32 $0x2000, s10;
	[sflag:s9] =	ssyncset.done $0x0  }
0x10: {  	s10 =	sadd.s32 s13, s12;
	[sflag:s9] =	ssyncadd.s32 $0xFFFFC000  }
0x11: {  	[hbm4b:s10+s3] =	stream.linear.scatter [tilespmem:s7], [sflag:$0x2], $0x4000, $0x38;
	[tilespmem:$0x8800] =	vst v63  }
0x12: {  	_ =	swait.ge [sflag:s4], $0x4000  }
0x13: {  	[sflag:s4] =	ssyncset.done $0x0  }
0x14: {  	s30 =	smul.u32 $0x24000, s11;
	s11 =	simm.s32 $0x100;
	[sflag:s4] =	ssyncadd.s32 $0xFFFFC000  }
0x15: {  	[tilespmem:s7], [sflag:$0x1] =	stream.indirect.gather [hbm4b:s2+s6], $0x80, s11, s6, $0xb8;
	[tilespmem:$0x8800] =	vst v63  }
0x16: {  	s12 =	sshrl.u32 s30, $0x3;
	_ =	swait.ge [sflag:s9], $0x4000  }
0x17: {  	s26 =	sadd.s32 s13, s12;
	[sflag:s9] =	ssyncset.done $0x0  }
0x18: {  	s12 =	sadd.s32 $0x800, s26;
	[sflag:s9] =	ssyncadd.s32 $0xFFFFC000  }
0x19: {  	[hbm4b:s12+s3] =	stream.linear.scatter [tilespmem:s8], [sflag:$0x2], $0x4000, $0x38;
	[tilespmem:$0x8800] =	vst v63  }
0x1a: {  	_ =	swait.ge [sflag:s4], $0x4000  }
0x1b: {  	[sflag:s4] =	ssyncset.done $0x0  }
0x1c: {  	s13 =	simm.s32 $0x180;
	[sflag:s4] =	ssyncadd.s32 $0xFFFFC000  }
0x1d: {  	[tilespmem:s8], [sflag:$0x1] =	stream.indirect.gather [hbm4b:s2+s6], $0x80, s13, s6, $0xb8;
	[tilespmem:$0x8800] =	vst v63  }
0x1e: {  	_ =	swait.ge [sflag:s9], $0x4000  }
0x1f: {  	[sflag:s9] =	ssyncset.done $0x0  }
0x20: {  	s14 =	sadd.s32 $0x1000, s26;
	[sflag:s9] =	ssyncadd.s32 $0xFFFFC000  }
0x21: {  	[hbm4b:s14+s3] =	stream.linear.scatter [tilespmem:s7], [sflag:$0x2], $0x4000, $0x38;
	[tilespmem:$0x8800] =	vst v63  }
0x22: {  	_ =	swait.ge [sflag:s4], $0x4000  }
0x23: {  	[sflag:s4] =	ssyncset.done $0x0  }
0x24: {  	s15 =	simm.s32 $0x200;
	[sflag:s4] =	ssyncadd.s32 $0xFFFFC000  }
0x25: {  	[tilespmem:s7], [sflag:$0x1] =	stream.indirect.gather [hbm4b:s2+s6], $0x80, s15, s6, $0xb8;
	[tilespmem:$0x8800] =	vst v63  }
0x26: {  	_ =	swait.ge [sflag:s9], $0x4000  }
0x27: {  	[sflag:s9] =	ssyncset.done $0x0  }
0x28: {  	s16 =	sadd.s32 $0x1800, s26;
	[sflag:s9] =	ssyncadd.s32 $0xFFFFC000  }
0x29: {  	[hbm4b:s16+s3] =	stream.linear.scatter [tilespmem:s8], [sflag:$0x2], $0x4000, $0x38;
	[tilespmem:$0x8800] =	vst v63  }
0x2a: {  	_ =	swait.ge [sflag:s4], $0x4000  }
0x2b: {  	[sflag:s4] =	ssyncset.done $0x0  }
0x2c: {  	s17 =	simm.s32 $0x280;
	[sflag:s4] =	ssyncadd.s32 $0xFFFFC000  }
0x2d: {  	[tilespmem:s8], [sflag:$0x1] =	stream.indirect.gather [hbm4b:s2+s6], $0x80, s17, s6, $0xb8;
	[tilespmem:$0x8800] =	vst v63  }
0x2e: {  	_ =	swait.ge [sflag:s9], $0x4000  }
0x2f: {  	[sflag:s9] =	ssyncset.done $0x0  }
0x30: {  	s18 =	sadd.s32 $0x2000, s26;
	[sflag:s9] =	ssyncadd.s32 $0xFFFFC000  }
0x31: {  	[hbm4b:s18+s3] =	stream.linear.scatter [tilespmem:s7], [sflag:$0x2], $0x4000, $0x38;
	[tilespmem:$0x8800] =	vst v63  }
0x32: {  	_ =	swait.ge [sflag:s4], $0x4000  }
0x33: {  	[sflag:s4] =	ssyncset.done $0x0  }
0x34: {  	s19 =	simm.s32 $0x300;
	[sflag:s4] =	ssyncadd.s32 $0xFFFFC000  }
0x35: {  	[tilespmem:s7], [sflag:$0x1] =	stream.indirect.gather [hbm4b:s2+s6], $0x80, s19, s6, $0xb8;
	[tilespmem:$0x8800] =	vst v63  }
0x36: {  	_ =	swait.ge [sflag:s9], $0x4000  }
0x37: {  	[sflag:s9] =	ssyncset.done $0x0  }
0x38: {  	s20 =	sadd.s32 $0x2800, s26;
	[sflag:s9] =	ssyncadd.s32 $0xFFFFC000  }
0x39: {  	[hbm4b:s20+s3] =	stream.linear.scatter [tilespmem:s8], [sflag:$0x2], $0x4000, $0x38;
	[tilespmem:$0x8800] =	vst v63  }
0x3a: {  	_ =	swait.ge [sflag:s4], $0x4000  }
0x3b: {  	[sflag:s4] =	ssyncset.done $0x0  }
0x3c: {  	s21 =	simm.s32 $0x380;
	[sflag:s4] =	ssyncadd.s32 $0xFFFFC000  }
0x3d: {  	[tilespmem:s8], [sflag:$0x1] =	stream.indirect.gather [hbm4b:s2+s6], $0x80, s21, s6, $0xb8;
	[tilespmem:$0x8800] =	vst v63  }
0x3e: {  	_ =	swait.ge [sflag:s9], $0x4000  }
0x3f: {  	[sflag:s9] =	ssyncset.done $0x0  }
0x40: {  	s22 =	sadd.s32 $0x3000, s26;
	[sflag:s9] =	ssyncadd.s32 $0xFFFFC000  }
0x41: {  	[hbm4b:s22+s3] =	stream.linear.scatter [tilespmem:s7], [sflag:$0x2], $0x4000, $0x38;
	[tilespmem:$0x8800] =	vst v63  }
0x42: {  	_ =	swait.ge [sflag:s4], $0x4000  }
0x43: {  	[sflag:s4] =	ssyncset.done $0x0  }
0x44: {  	s23 =	simm.s32 $0x400;
	[sflag:s4] =	ssyncadd.s32 $0xFFFFC000  }
0x45: {  	[tilespmem:s7], [sflag:$0x1] =	stream.indirect.gather [hbm4b:s2+s6], $0x80, s23, s6, $0xb8;
	[tilespmem:$0x8800] =	vst v63  }
0x46: {  	_ =	swait.ge [sflag:s9], $0x4000  }
0x47: {  	[sflag:s9] =	ssyncset.done $0x0  }
0x48: {  	s25 =	ssub.s32 $0x2, s25;
	s24 =	sadd.s32 $0x3800, s26;
	[sflag:s9] =	ssyncadd.s32 $0xFFFFC000  }
0x49: {  	[hbm4b:s24+s3] =	stream.linear.scatter [tilespmem:s8], [sflag:$0x2], $0x4000, $0x38;
	[tilespmem:$0x8800] =	vst v63  }
0x4a: {  	s28 =	sshrl.u32 s25, $0x1;
	_ =	swait.ge [sflag:s4], $0x4000  }
0x4b: {  	s28 =	ssub.s32 s25, s28;
	[sflag:s4] =	ssyncset.done $0x0  }
0x4c: {  	s31 =	smax.u32 s28, $0x1;
	[sflag:s4] =	ssyncadd.s32 $0xFFFFC000  }
0x4d: {  	p0 =	sne.s32 s31, $0x1;
	_ =	swait.ge [sflag:s9], $0x4000  }
.Ltmp0:
0x4e: {  	[sflag:s9] =	ssyncset.done $0x0;
	(pc) =	sbr.rel @!p0 .LBB2_2-.Ltmp0, $4  }
0x4f: {  	s25 =	sadd.s32 $0x4000, s26;
	[sflag:s9] =	ssyncadd.s32 $0xFFFFC000  }
0x50: {  	[hbm4b:s25+s3] =	stream.linear.scatter [tilespmem:s7], [sflag:$0x2], $0x4000, $0x38;
	[tilespmem:$0x8800] =	vst v63  }
0x51: {  	_ =	swait.ge [sflag:s4], $0x4000  }
0x52: {  	s26 =	sadd.s32 $0xFFFFFFFF, s31;
	[sflag:s4] =	ssyncset.done $0x0  }
.LBB2_1:
0x53: {  	p0 =	sne.s32 s26, $0x1;
	s26 =	sadd.s32 $0xFFFFFFFF, s26;
	[sflag:s4] =	ssyncadd.s32 $0xFFFFC000  }
0x54: {  	[tilespmem:s3], [sflag:$0x2] =	stream.linear.gather [hbm4b:s5+s3], $0x480, $0x38;
	[tilespmem:$0x8800] =	vst v63  }
0x55: {  	_ =	swait.ge [sflag:s4], $0x480  }
0x56: {  	[sflag:s4] =	ssyncset.done $0x0  }
0x57: {  	[sflag:s4] =	ssyncadd.s32 $0xFFFFFB80  }
0x58: {  	[tilespmem:s7], [sflag:$0x1] =	stream.indirect.gather [hbm4b:s2+s6], $0x80, s3, s6, $0xb8;
	[tilespmem:$0x8800] =	vst v63  }
0x59: {  	_ = 	snop  }
0x5a: {  	[tilespmem:s8], [sflag:$0x1] =	stream.indirect.gather [hbm4b:s2+s6], $0x80, s6, s6, $0xb8;
	[tilespmem:$0x8800] =	vst v63  }
0x5b: {  	_ =	swait.ge [sflag:s9], $0x4000  }
0x5c: {  	[sflag:s9] =	ssyncset.done $0x0  }
0x5d: {  	[sflag:s9] =	ssyncadd.s32 $0xFFFFC000  }
0x5e: {  	[hbm4b:s10+s3] =	stream.linear.scatter [tilespmem:s7], [sflag:$0x2], $0x4000, $0x38;
	[tilespmem:$0x8800] =	vst v63  }
0x5f: {  	_ =	swait.ge [sflag:s4], $0x4000  }
0x60: {  	[sflag:s4] =	ssyncset.done $0x0  }
0x61: {  	[sflag:s4] =	ssyncadd.s32 $0xFFFFC000  }
0x62: {  	[tilespmem:s7], [sflag:$0x1] =	stream.indirect.gather [hbm4b:s2+s6], $0x80, s11, s6, $0xb8;
	[tilespmem:$0x8800] =	vst v63  }
0x63: {  	_ =	swait.ge [sflag:s9], $0x4000  }
0x64: {  	[sflag:s9] =	ssyncset.done $0x0  }
0x65: {  	[sflag:s9] =	ssyncadd.s32 $0xFFFFC000  }
0x66: {  	[hbm4b:s12+s3] =	stream.linear.scatter [tilespmem:s8], [sflag:$0x2], $0x4000, $0x38;
	[tilespmem:$0x8800] =	vst v63  }
0x67: {  	_ =	swait.ge [sflag:s4], $0x4000  }
0x68: {  	[sflag:s4] =	ssyncset.done $0x0  }
0x69: {  	[sflag:s4] =	ssyncadd.s32 $0xFFFFC000  }
0x6a: {  	[tilespmem:s8], [sflag:$0x1] =	stream.indirect.gather [hbm4b:s2+s6], $0x80, s13, s6, $0xb8;
	[tilespmem:$0x8800] =	vst v63  }
0x6b: {  	_ =	swait.ge [sflag:s9], $0x4000  }
0x6c: {  	[sflag:s9] =	ssyncset.done $0x0  }
0x6d: {  	[sflag:s9] =	ssyncadd.s32 $0xFFFFC000  }
0x6e: {  	[hbm4b:s14+s3] =	stream.linear.scatter [tilespmem:s7], [sflag:$0x2], $0x4000, $0x38;
	[tilespmem:$0x8800] =	vst v63  }
0x6f: {  	_ =	swait.ge [sflag:s4], $0x4000  }
0x70: {  	[sflag:s4] =	ssyncset.done $0x0  }
0x71: {  	[sflag:s4] =	ssyncadd.s32 $0xFFFFC000  }
0x72: {  	[tilespmem:s7], [sflag:$0x1] =	stream.indirect.gather [hbm4b:s2+s6], $0x80, s15, s6, $0xb8;
	[tilespmem:$0x8800] =	vst v63  }
0x73: {  	_ =	swait.ge [sflag:s9], $0x4000  }
0x74: {  	[sflag:s9] =	ssyncset.done $0x0  }
0x75: {  	[sflag:s9] =	ssyncadd.s32 $0xFFFFC000  }
0x76: {  	[hbm4b:s16+s3] =	stream.linear.scatter [tilespmem:s8], [sflag:$0x2], $0x4000, $0x38;
	[tilespmem:$0x8800] =	vst v63  }
0x77: {  	_ =	swait.ge [sflag:s4], $0x4000  }
0x78: {  	[sflag:s4] =	ssyncset.done $0x0  }
0x79: {  	[sflag:s4] =	ssyncadd.s32 $0xFFFFC000  }
0x7a: {  	[tilespmem:s8], [sflag:$0x1] =	stream.indirect.gather [hbm4b:s2+s6], $0x80, s17, s6, $0xb8;
	[tilespmem:$0x8800] =	vst v63  }
0x7b: {  	_ =	swait.ge [sflag:s9], $0x4000  }
0x7c: {  	[sflag:s9] =	ssyncset.done $0x0  }
0x7d: {  	[sflag:s9] =	ssyncadd.s32 $0xFFFFC000  }
0x7e: {  	[hbm4b:s18+s3] =	stream.linear.scatter [tilespmem:s7], [sflag:$0x2], $0x4000, $0x38;
	[tilespmem:$0x8800] =	vst v63  }
0x7f: {  	_ =	swait.ge [sflag:s4], $0x4000  }
0x80: {  	[sflag:s4] =	ssyncset.done $0x0  }
0x81: {  	[sflag:s4] =	ssyncadd.s32 $0xFFFFC000  }
0x82: {  	[tilespmem:s7], [sflag:$0x1] =	stream.indirect.gather [hbm4b:s2+s6], $0x80, s19, s6, $0xb8;
	[tilespmem:$0x8800] =	vst v63  }
0x83: {  	_ =	swait.ge [sflag:s9], $0x4000  }
0x84: {  	[sflag:s9] =	ssyncset.done $0x0  }
0x85: {  	[sflag:s9] =	ssyncadd.s32 $0xFFFFC000  }
0x86: {  	[hbm4b:s20+s3] =	stream.linear.scatter [tilespmem:s8], [sflag:$0x2], $0x4000, $0x38;
	[tilespmem:$0x8800] =	vst v63  }
0x87: {  	_ =	swait.ge [sflag:s4], $0x4000  }
0x88: {  	[sflag:s4] =	ssyncset.done $0x0  }
0x89: {  	[sflag:s4] =	ssyncadd.s32 $0xFFFFC000  }
0x8a: {  	[tilespmem:s8], [sflag:$0x1] =	stream.indirect.gather [hbm4b:s2+s6], $0x80, s21, s6, $0xb8;
	[tilespmem:$0x8800] =	vst v63  }
0x8b: {  	_ =	swait.ge [sflag:s9], $0x4000  }
0x8c: {  	[sflag:s9] =	ssyncset.done $0x0  }
0x8d: {  	[sflag:s9] =	ssyncadd.s32 $0xFFFFC000  }
0x8e: {  	[hbm4b:s22+s3] =	stream.linear.scatter [tilespmem:s7], [sflag:$0x2], $0x4000, $0x38;
	[tilespmem:$0x8800] =	vst v63  }
0x8f: {  	_ =	swait.ge [sflag:s4], $0x4000  }
0x90: {  	[sflag:s4] =	ssyncset.done $0x0  }
0x91: {  	[sflag:s4] =	ssyncadd.s32 $0xFFFFC000  }
0x92: {  	[tilespmem:s7], [sflag:$0x1] =	stream.indirect.gather [hbm4b:s2+s6], $0x80, s23, s6, $0xb8;
	[tilespmem:$0x8800] =	vst v63  }
0x93: {  	_ =	swait.ge [sflag:s9], $0x4000  }
0x94: {  	[sflag:s9] =	ssyncset.done $0x0  }
0x95: {  	[sflag:s9] =	ssyncadd.s32 $0xFFFFC000  }
0x96: {  	[hbm4b:s24+s3] =	stream.linear.scatter [tilespmem:s8], [sflag:$0x2], $0x4000, $0x38;
	[tilespmem:$0x8800] =	vst v63  }
0x97: {  	_ =	swait.ge [sflag:s4], $0x4000  }
0x98: {  	[sflag:s4] =	ssyncset.done $0x0  }
0x99: {  	[sflag:s4] =	ssyncadd.s32 $0xFFFFC000  }
0x9a: {  	_ =	swait.ge [sflag:s9], $0x4000  }
.Ltmp1:
0x9b: {  	[sflag:s9] =	ssyncset.done $0x0;
	(pc) =	sbr.rel @p0 .LBB2_1-.Ltmp1, $4  }
0x9c: {  	[sflag:s9] =	ssyncadd.s32 $0xFFFFC000  }
0x9d: {  	[hbm4b:s25+s3] =	stream.linear.scatter [tilespmem:s7], [sflag:$0x2], $0x4000, $0x38;
	[tilespmem:$0x8800] =	vst v63  }
0x9e: {  	_ =	swait.ge [sflag:s4], $0x4000  }
0x9f: {  	[sflag:s4] =	ssyncset.done $0x0  }
.LBB2_2:
0xa0: {  	[sflag:s4] =	ssyncadd.s32 $0xFFFFC000  }
0xa1: {  	_ =	sfence.sel $0x180000  }
0xa2: {  	[bflag:$0x0] =	sbarrier.arrive $0xFFFF  }
0xa3: {  	p0 =	sne.s32 s0, $0x0;
	_ =	strace $0x9000004A  }
0xa4: {  	s0 =	sadd.s32 @!p0 $0x100000, s1;
	[bflag:$0x2] =	sbarrier.arrive $0xFFFF  }
0xa5: {  	[sflag:s0] =	ssyncadd.tile.s32 @!p0 $0x1;
	_ =	shalt  }
.Lfunc_end2:
_tile_overlayer_lowered:
.L_overlay_start_2:
0xa6: {  	(tag) =	ssettag $0x2  }
0xa7: {  	s0 =	rddreg [dreg:$0x0];
	s2 =	stileid.u32  }
0xa8: {  	s1 =	rddreg [dreg:$0x1];
	p0 =	sne.s32 s2, $0x0  }
0xa9: {  	s3 =	rddreg [dreg:$0x2];
	[bflag:$0x3] =	sbarrier.arrive $0xFFFF;
	s2 =	simm.s32 @!p0 $0x1C02  }
0xaa: {  	[timem:s3], [sflag:s2] =	dma.local @!p0 [hbm:s0], s1  }
0xab: {  	s0 =	simm.s32 @!p0 $0x2  }
0xac: {  	_ =	swait.ge @!p0 [sflag:s0], s1  }
0xad: {  	s1 =	ssub.s32 @!p0 $0x0, s1;
	[sflag:s0] =	ssyncset.done @!p0 $0x0  }
0xae: {  	[sflag:s0] =	ssyncadd.s32 @!p0 s1  }
0xaf: {  	[bflag:$0x3] =	sbarrier.arrive $0xFFFF  }
0xb0: {  	_ =	shalt  }

// kernel: scatter_offload_async_start
scs
__scs_entry_jumppad:
0x0: {  	(pc) =	sbr.rel $0x88, $3  }
0x1: {  	(tag) =	ssettag $0x0;
	lr =	simm.s32 $0x1  }
0x2: {  	[smem:$0x3F9F] =	sst lr;
	_ =	strace $0xD0000000  }
0x3: {  	_ = 	snop  }
0x4: {  	_ = 	snop  }
0x5: {  	_ = 	snop  }
0x6: {  	_ = 	snop  }
0x7: {  	_ = 	snop  }
__scs_overlays_trampoline_lowered:
0x8: {  	[smem:$0x3FAE] =	sst s0  }
0x9: {  	[smem:$0x3FAF] =	sst s1  }
0xa: {  	[smem:$0x3FB0] =	sst s2  }
0xb: {  	[smem:$0x3FB1] =	sst s3  }
0xc: {  	[smem:$0x3FB2] =	sst s4  }
0xd: {  	[smem:$0x3FB3] =	sst s5  }
0xe: {  	[smem:$0x3FB4] =	sst s6  }
0xf: {  	[smem:$0x3FB5] =	sst s7  }
0x10: {  	[smem:$0x3FB6] =	sst s8  }
0x11: {  	[smem:$0x3FB7] =	sst s9;
	s0 =	simm.s32 @!p0 $0x0  }
0x12: {  	s1 =	sld [smem:$0x3F9D];
	s0 =	simm.s32 @p0 $0x1  }
0x13: {  	[smem:$0x3FB8] =	sst s0;
	s0 =	simm.s32 @!p1 $0x0  }
0x14: {  	s2 =	sld [smem:$0x3F9C];
	s0 =	simm.s32 @p1 $0x1  }
0x15: {  	[smem:$0x3FB9] =	sst s0;
	s0 =	simm.s32 @!p2 $0x0  }
0x16: {  	s3 =	sld [smem:$0x3FDB];
	s0 =	simm.s32 @p2 $0x1  }
0x17: {  	s4 =	simm.s32 $0x1BF5;
	[smem:$0x3FBB] =	sst s0  }
0x18: {  	s0 =	sld [smem:$0x3F9E];
	_ =	swait.ge [sflag:s4], $0x0  }
0x19: {  	s7 =	sld [smem:$0x3F9F]  }
0x1a: {  	s8 =	sadd.s32 $0xFFFFE003, lr  }
0x1b: {  	s9 =	sadd.s32 $0xFFFFFEF7, lr;
	s5 =	simm.s32 $0xFFFFFFFF;
	p2 =	slt.u32 s8, $0xFFFFF086  }
0x1c: {  	p1 =	slt.u32 s9, $0xF7A;
	s5 =	simm.s32 @!p2 $0x0  }
0x1d: {  	s5 =	simm.s32 @p1 $0x1;
	p0 =	seq.s32 s7, s2  }
0x1e: {  	s7 =	smul.u32 @!p0 $0xF7A, s2;
	p2 =	seq.s32 @!p0 s5, $0x0  }
0x1f: {  	s9 =	smul.u32 $0xF7A, s1;
	s8 =	simm.s32 @!p0 $0x1BF5;
	p2 =	por !p2, p0  }
0x20: {  	[sflag:s8] =	ssyncset.s32 @!p0 $0xFFFFF086;
	s6 =	sadd.s32 @!p0 s3, s7;
	s7 =	simm.s32 @!p0 $0x108  }
0x21: {  	s3 =	sadd.s32 s3, s9;
	s6 =	sadd.s32 @!p0 $0x88, s6;
	s7 =	simm.s32 @p2 $0x1082  }
0x22: {  	[simem:s7], [sflag:s8] =	dma.local @!p0 [hbm:s6], $0xF7A  }
0x23: {  	s9 =	sor.u32 $0xD0000000, s2;
	s6 =	simm.s32 $0x108;
	_ =	swait.ge @!p0 [sflag:s8], $0x0  }
0x24: {  	s3 =	sadd.s32 $0x88, s3;
	s6 =	simm.s32 @!p1 $0x1082;
	[sflag:s4] =	ssyncset.s32 $0xFFFFF086  }
0x25: {  	[simem:s6], [sflag:s4] =	dma.local [hbm:s3], $0xF7A  }
0x26: {  	[smem:$0x3F9F] =	sst s1;
	(tag) =	ssettag s2;
	_ =	strace s9  }
0x27: {  	s1 =	sld [smem:$0x3FAF]  }
0x28: {  	s2 =	sld [smem:$0x3FB0]  }
0x29: {  	s4 =	sld [smem:$0x3FB2]  }
0x2a: {  	p0 =	seq.s32 s5, $0x0;
	s5 =	sld [smem:$0x3FB3]  }
0x2b: {  	s6 =	sld [smem:$0x3FB4]  }
0x2c: {  	s7 =	sld [smem:$0x3FB5]  }
0x2d: {  	s3 =	simm.s32 $0x108;
	s8 =	sld [smem:$0x3FB6]  }
0x2e: {  	s3 =	simm.s32 @!p0 $0x1082;
	s9 =	sld [smem:$0x3FB7]  }
0x2f: {  	lr =	sadd.s32 s0, s3;
	s0 =	sld [smem:$0x3FAE]  }
0x30: {  	s3 =	sld [smem:$0x3FB1]  }
0x31: {  	[smem:$0x3FBA] =	sst s10  }
0x32: {  	s10 =	sld [smem:$0x3FB8];
	_ =	sdelay $0x3  }
0x33: {  	p0 =	seq.s32 s10, $0x1;
	s10 =	sld [smem:$0x3FBA];
	_ =	sdelay $0x3  }
0x34: {  	[smem:$0x3FBA] =	sst s10  }
0x35: {  	s10 =	sld [smem:$0x3FB9];
	_ =	sdelay $0x3  }
0x36: {  	p1 =	seq.s32 s10, $0x1;
	s10 =	sld [smem:$0x3FBA];
	_ =	sdelay $0x3  }
0x37: {  	[smem:$0x3FBA] =	sst s10  }
0x38: {  	s10 =	sld [smem:$0x3FBB]  }
0x39: {  	_ = 	snop;
	(pc) =	sbr.ind lr, $3  }
0x3a: {  	_ = 	snop  }
0x3b: {  	_ = 	snop  }
0x3c: {  	p2 =	seq.s32 s10, $0x1;
	s10 =	sld [smem:$0x3FBA]  }
0x3d: {  	_ =	shalt  }
0x3e: {  	_ =	shalt  }
0x3f: {  	_ =	shalt  }
0x40: {  	_ =	shalt  }
0x41: {  	_ =	shalt  }
0x42: {  	_ =	shalt  }
0x43: {  	_ =	shalt  }
0x44: {  	_ =	shalt  }
0x45: {  	_ =	shalt  }
0x46: {  	_ =	shalt  }
0x47: {  	_ =	shalt  }
0x48: {  	_ =	shalt  }
0x49: {  	_ =	shalt  }
0x4a: {  	_ =	shalt  }
0x4b: {  	_ =	shalt  }
0x4c: {  	_ =	shalt  }
0x4d: {  	_ =	shalt  }
0x4e: {  	_ =	shalt  }
0x4f: {  	_ =	shalt  }
0x50: {  	_ =	shalt  }
0x51: {  	_ =	shalt  }
0x52: {  	_ =	shalt  }
0x53: {  	_ =	shalt  }
0x54: {  	_ =	shalt  }
0x55: {  	_ =	shalt  }
0x56: {  	_ =	shalt  }
0x57: {  	_ =	shalt  }
0x58: {  	_ =	shalt  }
0x59: {  	_ =	shalt  }
0x5a: {  	_ =	shalt  }
0x5b: {  	_ =	shalt  }
0x5c: {  	_ =	shalt  }
0x5d: {  	_ =	shalt  }
0x5e: {  	_ =	shalt  }
0x5f: {  	_ =	shalt  }
0x60: {  	_ =	shalt  }
0x61: {  	_ =	shalt  }
0x62: {  	_ =	shalt  }
0x63: {  	_ =	shalt  }
0x64: {  	_ =	shalt  }
0x65: {  	_ =	shalt  }
0x66: {  	_ =	shalt  }
0x67: {  	_ =	shalt  }
0x68: {  	_ =	shalt  }
0x69: {  	_ =	shalt  }
0x6a: {  	_ =	shalt  }
0x6b: {  	_ =	shalt  }
0x6c: {  	_ =	shalt  }
0x6d: {  	_ =	shalt  }
0x6e: {  	_ =	shalt  }
0x6f: {  	_ =	shalt  }
0x70: {  	_ =	shalt  }
0x71: {  	_ =	shalt  }
0x72: {  	_ =	shalt  }
0x73: {  	_ =	shalt  }
0x74: {  	_ =	shalt  }
0x75: {  	_ =	shalt  }
0x76: {  	_ =	shalt  }
0x77: {  	_ =	shalt  }
0x78: {  	_ =	shalt  }
0x79: {  	_ =	shalt  }
0x7a: {  	_ =	shalt  }
0x7b: {  	_ =	shalt  }
0x7c: {  	_ =	shalt  }
0x7d: {  	_ =	shalt  }
0x7e: {  	_ =	shalt  }
0x7f: {  	_ =	shalt  }
0x80: {  	_ =	shalt  }
0x81: {  	_ =	shalt  }
0x82: {  	_ =	shalt  }
0x83: {  	_ =	shalt  }
0x84: {  	_ =	shalt  }
0x85: {  	_ =	shalt  }
0x86: {  	_ =	shalt  }
0x87: {  	_ =	shalt  }
.Lfunc_end0:
.L_simem_size_0:
called_computation_lowered:
.L_overlay_start_0:
0x88: {  	s0 =	sld [smem:$0x3FD9]  }
0x89: {  	s1 =	sld [smem:$0x3FFE];
	_ =	sdelay $0x3  }
0x8a: {  	s0 =	sadd.s32 s1, s0  }
0x8b: {  	[smem:$0x3FC6] =	sst s0  }
0x8c: {  	_ = 	snop  }
0x8d: {  	(tm) =	ssettm $0x1  }
0x8e: {  	s15 =	sld [smem:$0x3FFB];
	_ =	sdelay $0x3  }
0x8f: {  	_ =	strace s15  }
0x90: {  	s0 =	sld [smem:$0x3FFC];
	_ =	sdelay $0x3  }
0x91: {  	_ =	strace s0  }
0x92: {  	s0 =	sld [smem:$0x3FFD];
	_ =	sdelay $0x3  }
0x93: {  	_ =	strace s0  }
0x94: {  	_ =	strace $0x8FFFFFFF  }
0x95: {  	s16 =	sld [smem:$0x3FDB];
	_ =	sdelay $0x1  }
0x96: {  	s17 =	simm.s32 $_scs_section_size  }
0x97: {  	s2 =	simm.s32 $_size__tile_overlayer_lowered;
	s3 =	simm.s32 $_tile_overlayer_lowered  }
0x98: {  	s20 =	simm.s32 $0x1BFF;
	s19 =	sshll.u32 s3, $0x1;
	s0 =	sadd.s32 s17, s16  }
0x99: {  	s4 =	simm.s32 $0x0;
	s18 =	sshll.u32 s2, $0x1;
	s2 =	sadd.s32 s19, s0  }
0x9a: {  	[timem:s4], [sflag:s20] =	dma.local [hbm:s2], s18  }
0x9b: {  	_ =	swait.ge [sflag:s20], s18  }
0x9c: {  	s1 =	ssub.s32 $0x0, s18;
	[sflag:s20] =	ssyncset.done $0x0  }
0x9d: {  	[sflag:s20] =	ssyncadd.s32 s1;
	_ =	sdelay $0x1  }
0x9e: {  	s21 =	simm.s32 $0x1B8B  }
0x9f: {  	_ =	swait.ge [sflag:s21], $0x1  }
0xa0: {  	[sflag:s21] =	ssyncset.done $0x0  }
0xa1: {  	s23 =	simm.s32 $0x1B8E;
	s22 =	sld [smem:$0x3FFE];
	[sflag:s21] =	ssyncadd.s32 $0xFFFFFFFF  }
0xa2: {  	s24 =	simm.s32 $execute0_lowered;
	[smem:$0x3FD2] =	sst s23  }
0xa3: {  	s2 =	sshll.u32 s24, $0x1;
	_ =	strace $0x80000046;
	[dreg:$0x1] =	wrdreg $0xFFFFFFFF  }
0xa4: {  	s25 =	simm.s32 $_size_execute0_lowered;
	s0 =	sadd.s32 s0, s2;
	[dreg:$0x0] =	wrdreg $0x0  }
0xa5: {  	s2 =	sshll.u32 s25, $0x1;
	[dreg:$0x2] =	wrdreg s0  }
0xa6: {  	[dreg:$0x3] =	wrdreg s2  }
0xa7: {  	[dreg:$0x4] =	wrdreg $0xC0  }
0xa8: {  	_ =	task [dreg:s4], $0x5FFFF  }
0xa9: {  	[dreg:$0x1] =	wrdreg $0xFFFFFFFF  }
0xaa: {  	[dreg:$0x0] =	wrdreg $0x60  }
0xab: {  	[dreg:$0x2] =	wrdreg s22  }
0xac: {  	[dreg:$0x3] =	wrdreg $0x9  }
0xad: {  	_ =	task.clear_ibuf [dreg:s4], $0x4FFFF;
	_ =	strace $0x90000046  }
0xae: {  	s26 =	simm.s32 $0x9;
	_ =	strace $0x80000048  }
0xaf: {  	_ =	swait.ge [sflag:s26], $0x1  }
0xb0: {  	[sflag:s26] =	ssyncadd.s32 $0xFFFFFFFF  }
0xb1: {  	_ =	strace $0x90000048  }
0xb2: {  	_ =	sfence  }
0xb3: {  	s28 =	sld [smem:$0x0];
	_ =	sdelay $0x1  }
0xb4: {  	s29 =	srdreg.scid  }
0xb5: {  	s30 =	sshll.u32 s29, $0xD;
	s31 =	sshrl.u32 s29, $0x2  }
0xb6: {  	s1 =	sand.u32 $0x1, s29;
	s2 =	sand.u32 $0x4000, s30;
	s0 =	sadd.s32 s31, s28  }
0xb7: {  	s1 =	sor.u32 s2, s1;
	s0 =	sshll.u32 s0, $0x11  }
0xb8: {  	s0 =	sor.u32 s0, s1  }
0xb9: {  	s0 =	sadd.s32 $0x8F2B, s0  }
0xba: {  	[sflag:s0] =	ssyncadd.remote.s32 $0x1  }
0xbb: {  	_ =	sfence.sel $0xFFFF  }
0xbc: {  	[dreg:$0x0] =	wrdreg $0xFFFFFFFF;
	(pc) =	sbr.abs _section_cstart, $3  }
0xbd: {  	[dreg:$0x1] =	wrdreg $0xFFFFFFFF  }
0xbe: {  	_ =	task.clear_ibuf [dreg:s4], $0x2FFFF;
	_ =	strace $0x9FFFFFFF  }
0xbf: {  	(tm) =	ssettm $0x7FFFFFFF  }
tec
execute0_lowered:
.L_overlay_start_1:
0x0: {  	(tag) =	ssettag $0x1  }
0x1: {  	s2 =	rddreg [dreg:$0x0]  }
0x2: {  	s0 =	rddreg [dreg:$0x1];
	_ =	strace $0x80000047;
	s3 =	stileid.u32  }
0x3: {  	s4 =	simm.s32 $0x3E;
	s1 =	sadd.s32 $0x91600, s2;
	p0 =	sne.s32 s3, $0x0  }
0x4: {  	[sflag:s4] =	ssyncpa.u1 $0x0;
	s5 =	simm.s32 @!p0 $0x1C3E;
	s6 =	simm.s32 @!p0 $0x0  }
0x5: {  	[spmem:s6], [sflag:s5] =	dma.local @!p0 [hbm:s1], $0x20  }
0x6: {  	s5 =	simm.s32 @!p0 $0x3E  }
0x7: {  	_ =	swait.ge @!p0 [sflag:s5], $0x20  }
0x8: {  	[sflag:s5] =	ssyncset.done @!p0 $0x0  }
0x9: {  	s26 =	simm.s32 $0x1;
	[sflag:s5] =	ssyncadd.s32 @!p0 $0xFFFFFFE0  }
0xa: {  	s28 =	simm.s32 $0x2;
	s7 =	simm.s32 $0x910;
	[bflag:$0x0] =	sbarrier.arrive $0xFFFF  }
0xb: {  	s3 =	smul.u32 $0x120, s3;
	s29 =	sadd.s32 $0x90400, s2;
	[sflag:s4] =	ssyncpa.u1 $0x1  }
0xc: {  	s30 =	sadd.s32 $0x91800, s2;
	s2 =	simm.s32 $0x0;
	[sflag:s26] =	ssyncpa.u1 $0x0  }
0xd: {  	s5 =	sadd.s32 s29, s3;
	(ifvalue) =	ssetifvalue $0x100;
	[sflag:s28] =	ssyncpa.u1 $0x0  }
0xe: {  	[tilespmem:s7], [sflag:$0x2] =	stream.linear.gather [hbm4b:s5+s2], $0x900, $0x38;
	[tilespmem:$0x2410] =	vst v63  }
0xf: {  	s31 =	sadd.s32 s30, s3;
	s3 =	simm.s32 $0x1B10  }
0x10: {  	[tilespmem:s3], [sflag:$0x2] =	stream.linear.gather [hbm4b:s31+s2], $0x900, $0x38;
	[tilespmem:$0x2410] =	vst v63  }
0x11: {  	_ =	swait.ge [sflag:s28], $0x1200  }
0x12: {  	[sflag:s28] =	ssyncset.done $0x0  }
0x13: {  	[sflag:s28] =	ssyncadd.s32 $0xFFFFEE00  }
0x14: {  	v0 =	vld.msk [tilespmem:s7+$0x0 ss:$0x1], $0xffff;
	_ =	sdelay $0x4  }
0x15: {  	v0 =	vmin.u32 v0, $0x100;
	_ =	sdelay $0x3  }
0x16: {  	vm0 =	vmmov $0xffff;
	s4 =	simm.s32 $0x0;
	s5 =	simm.s32 $0x920  }
0x17: {  	[spmem:s2] =	stream.indirect_vreg.scatter.add.s32 [tilespmem:s3], [sflag:$0x1], $0x1, v0, vm0, $0x4038;
	[tilespmem:$0x2410] =	vst v63  }
.LBB2_1:
0x18: {  	v0 =	vld.msk [tilespmem:s5+$0x0 ss:$0x1], $0xffff;
	s4 =	sadd.s32 $0x10, s4  }
0x19: {  	p1 =	slt.u32 s4, $0x8F0;
	_ =	sdelay $0x4  }
0x1a: {  	v0 =	vmin.u32 v0, $0x100  }
.Ltmp0:
0x1b: {  	(pc) =	sbr.rel @p1 .LBB2_1-.Ltmp0, $3  }
0x1c: {  	_ =	sdelay $0x1  }
0x1d: {  	s5 =	sadd.s32 $0x10, s5;
	s3 =	sadd.s32 $0x10, s3  }
0x1e: {  	[spmem:s2] =	stream.indirect_vreg.scatter.add.s32 [tilespmem:s3], [sflag:$0x1], $0x1, v0, vm0, $0x4038;
	[tilespmem:$0x2410] =	vst v63  }
0x1f: {  	s2 =	simm.s32 $0x1  }
0x20: {  	_ =	swait.ge [sflag:s2], $0x900  }
0x21: {  	[sflag:s2] =	ssyncset.done $0x0  }
0x22: {  	[sflag:s2] =	ssyncadd.s32 $0xFFFFF700  }
0x23: {  	_ =	sfence.sel $0x180000  }
0x24: {  	s3 =	simm.s32 $0x2;
	[bflag:$0x0] =	sbarrier.arrive $0xFFFF  }
0x25: {  	[sflag:s3] =	ssyncpa.u1 $0x1  }
0x26: {  	[sflag:s2] =	ssyncpa.u1 $0x1  }
0x27: {  	_ =	sfence.stream.spmem  }
0x28: {  	s31 =	simm.s32 $0x3D;
	[bflag:$0x0] =	sbarrier.arrive $0xFFFF  }
0x29: {  	s2 =	simm.s32 @p0 $0x3D;
	[sflag:s31] =	ssyncpa.u1 $0x0  }
0x2a: {  	[sflag:s2] =	ssyncpa.u1 @p0 $0x1  }
0x2b: {  	[bflag:$0x0] =	sbarrier.arrive @p0 $0xFFFF  }
0x2c: {  	_ =	strace @p0 $0x90000047  }
0x2d: {  	s3 =	simm.s32 @!p0 $0x1C3D;
	s2 =	simm.s32 @!p0 $0x0;
	[bflag:$0x2] =	sbarrier.arrive @p0 $0xFFFF  }
0x2e: {  	[hbm:s1], [sflag:s3] =	dma.local @!p0 [spmem:s2], $0x20  }
0x2f: {  	s1 =	simm.s32 @!p0 $0x3D  }
0x30: {  	_ =	swait.ge @!p0 [sflag:s1], $0x20  }
0x31: {  	[sflag:s1] =	ssyncset.done @!p0 $0x0  }
0x32: {  	[sflag:s1] =	ssyncadd.s32 @!p0 $0xFFFFFFE0  }
0x33: {  	[sflag:s1] =	ssyncpa.u1 @!p0 $0x1  }
0x34: {  	[bflag:$0x0] =	sbarrier.arrive @!p0 $0xFFFF  }
0x35: {  	_ =	strace @!p0 $0x90000047  }
0x36: {  	s0 =	sadd.s32 @!p0 $0x100000, s0;
	[bflag:$0x2] =	sbarrier.arrive @!p0 $0xFFFF  }
0x37: {  	[sflag:s0] =	ssyncadd.tile.s32 @!p0 $0x1;
	_ =	shalt  }
.Lfunc_end2:
_tile_overlayer_lowered:
.L_overlay_start_2:
0x38: {  	(tag) =	ssettag $0x2  }
0x39: {  	s0 =	rddreg [dreg:$0x0];
	s2 =	stileid.u32  }
0x3a: {  	s1 =	rddreg [dreg:$0x1];
	p0 =	sne.s32 s2, $0x0  }
0x3b: {  	s3 =	rddreg [dreg:$0x2];
	[bflag:$0x3] =	sbarrier.arrive $0xFFFF;
	s2 =	simm.s32 @!p0 $0x1C01  }
0x3c: {  	[timem:s3], [sflag:s2] =	dma.local @!p0 [hbm:s0], s1  }
0x3d: {  	s0 =	simm.s32 @!p0 $0x1  }
0x3e: {  	_ =	swait.ge @!p0 [sflag:s0], s1  }
0x3f: {  	s1 =	ssub.s32 @!p0 $0x0, s1;
	[sflag:s0] =	ssyncset.done @!p0 $0x0  }
0x40: {  	[sflag:s0] =	ssyncadd.s32 @!p0 s1  }
0x41: {  	[bflag:$0x3] =	sbarrier.arrive $0xFFFF  }
0x42: {  	_ =	shalt  }

</sc_bundles>
